<compile_context>
chip_gen: v7x
topology: tpu7x:2x2x1
jax: 0.10.2.dev20260603
libtpu: 0.0.44.dev20260713+nightly
codegen_flags: <defaults>
</compile_context>

<pallas_src>
import jax
import jax.numpy as jnp
from jax.experimental import pallas as pl

_PC_MIN = (0.0, -40.0, -3.0)
_PILLAR = 0.32
_NX = 220
_NY = 250
_NSEG = _NX * _NY
_NSEG_PAD = 55040
_N = 200000
_N_PAD = 204800
_BLK = 4096
_ZC = 2.0


def _point_stage_body(pts_ref, w_ref, gamma_ref, pid_ref, val4_ref, s_ref):
    i = pl.program_id(0)
    pts = pts_ref[...]
    relx = pts[:, 0:1] - _PC_MIN[0]
    rely = pts[:, 1:2] - _PC_MIN[1]
    relz = pts[:, 2:3] - _PC_MIN[2]
    ix = jnp.clip(jnp.floor(relx / _PILLAR).astype(jnp.int32), 0, _NX - 1)
    iy = jnp.clip(jnp.floor(rely / _PILLAR).astype(jnp.int32), 0, _NY - 1)
    pid = iy * _NX + ix
    gidx = i * _BLK + jax.lax.broadcasted_iota(jnp.int32, (_BLK, 1), 0)
    valid = gidx < _N
    pid = jnp.where(valid, pid, _NSEG_PAD - 1)
    pid_ref[...] = pid[:, 0]
    ones = jnp.where(valid, 1.0, 0.0).astype(jnp.float32)
    rel = jnp.concatenate([relx, rely, relz], axis=1)
    relm = jnp.where(valid, rel, 0.0)
    val4_ref[...] = jnp.concatenate([ones, relm], axis=1)
    wf = w_ref[...] * gamma_ref[...][None, :]
    u = jnp.concatenate([pts, rel, rel], axis=1)
    s = u[:, 0:1] * wf[0][None, :]
    for k in range(1, 10):
        s = s + u[:, k:k + 1] * wf[k][None, :]
    s_ref[...] = s


def _point_stage(points_pad, w, gamma):
    grid = _N_PAD // _BLK
    return pl.pallas_call(
        _point_stage_body,
        grid=(grid,),
        in_specs=[
            pl.BlockSpec((_BLK, 4), lambda i: (i, 0)),
            pl.BlockSpec((10, 64), lambda i: (0, 0)),
            pl.BlockSpec((64,), lambda i: (0,)),
        ],
        out_specs=[
            pl.BlockSpec((_BLK,), lambda i: (i,)),
            pl.BlockSpec((_BLK, 4), lambda i: (i, 0)),
            pl.BlockSpec((_BLK, 64), lambda i: (i, 0)),
        ],
        out_shape=[
            jax.ShapeDtypeStruct((_N_PAD,), jnp.int32),
            jax.ShapeDtypeStruct((_N_PAD, 4), jnp.float32),
            jax.ShapeDtypeStruct((_N_PAD, 64), jnp.float32),
        ],
    )(points_pad, w, gamma)


_PBLK = 1280


def _pillar_stage_body(tab_ref, m_ref, w_ref, gamma_ref, beta_ref, out_ref):
    i = pl.program_id(0)
    tab = tab_ref[0]
    count = tab[:, 0:1]
    mean = tab[:, 1:4] / jnp.maximum(count, 1.0)
    p = i * _PBLK + jax.lax.broadcasted_iota(jnp.int32, (_PBLK, 1), 0)
    ix = jax.lax.rem(p, _NX)
    iy = jax.lax.rem(p // _NX, _NY)
    cx = (ix.astype(jnp.float32) + 0.5) * _PILLAR
    cy = (iy.astype(jnp.float32) + 0.5) * _PILLAR
    wf = w_ref[...] * gamma_ref[...][None, :]
    v6 = jnp.concatenate(
        [-mean, -cx, -cy, jnp.full((_PBLK, 1), -_ZC, jnp.float32)], axis=1)
    vw = v6[:, 0:1] * wf[4][None, :]
    for k in range(1, 6):
        vw = vw + v6[:, k:k + 1] * wf[4 + k][None, :]
    z = m_ref[...] + vw + beta_ref[...][None, :]
    out_ref[...] = jnp.where(count > 0, jnp.maximum(z, 0.0), 0.0)


def _pillar_stage(tab2, m, w, gamma, beta):
    grid = _NSEG_PAD // _PBLK
    return pl.pallas_call(
        _pillar_stage_body,
        grid=(grid,),
        in_specs=[
            pl.BlockSpec((1, _PBLK, 4), lambda i: (0, i, 0)),
            pl.BlockSpec((_PBLK, 64), lambda i: (i, 0)),
            pl.BlockSpec((10, 64), lambda i: (0, 0)),
            pl.BlockSpec((64,), lambda i: (0,)),
            pl.BlockSpec((64,), lambda i: (0,)),
        ],
        out_specs=pl.BlockSpec((_PBLK, 64), lambda i: (i, 0)),
        out_shape=jax.ShapeDtypeStruct((_NSEG_PAD, 64), jnp.float32),
    )(tab2, m, w, gamma, beta)


def kernel(points, xyz_batch_cnt, W, gamma, beta):
    del xyz_batch_cnt
    points_pad = jnp.pad(points, ((0, _N_PAD - _N), (0, 0)))
    pid, val4, s = _point_stage(points_pad, W, gamma)
    tab = jax.ops.segment_sum(val4, pid, num_segments=_NSEG_PAD)
    tab2 = tab[None]
    m = jax.ops.segment_max(s, pid, num_segments=_NSEG_PAD)
    out = _pillar_stage(tab2, m, W, gamma, beta)
    return out[:_NSEG]

# --- scband reference (transcript-rebuilt; emitter-appended) ---
"""Pipeline reference for scband-dynamic-pillar-feature-net-12343736008727 (READ-ONLY COPY).

The authoritative reference and input builder live on the scoring server;
editing this copy changes nothing except your own understanding.
"""

import jax, jax.numpy as jnp
import numpy as np

PC_RANGE = (0.0, -40.0, -3.0, 70.4, 40.0, 1.0)
PILLAR_SIZE = 0.32
NX = int(round((PC_RANGE[3] - PC_RANGE[0]) / PILLAR_SIZE))  # 220
NY = int(round((PC_RANGE[4] - PC_RANGE[1]) / PILLAR_SIZE))  # 250
N_POINTS = 200000
C_IN = 4
C_OUT = 64


def setup_inputs(seed: int = 0) -> dict:
    key = jax.random.key(seed)
    k1, k2 = jax.random.split(key)
    u = jax.random.uniform(k1, (N_POINTS, C_IN), dtype=jnp.float32)
    mins = jnp.array([PC_RANGE[0], PC_RANGE[1], PC_RANGE[2], 0.0], dtype=jnp.float32)
    maxs = jnp.array([PC_RANGE[3], PC_RANGE[4], PC_RANGE[5], 1.0], dtype=jnp.float32)
    points = u * (maxs - mins) + mins
    xyz_batch_cnt = jnp.array([N_POINTS], dtype=jnp.int32)
    W = jax.random.normal(k2, (C_IN + 6, C_OUT), dtype=jnp.float32) * 0.05
    gamma = jnp.ones((C_OUT,), dtype=jnp.float32)
    beta = jnp.zeros((C_OUT,), dtype=jnp.float32)
    return {"points": points, "xyz_batch_cnt": xyz_batch_cnt, "W": W, "gamma": gamma, "beta": beta}


def _forward(points, xyz_batch_cnt, W, gamma, beta):
    mins = jnp.array([PC_RANGE[0], PC_RANGE[1], PC_RANGE[2]], dtype=jnp.float32)
    # absl_to_relative is done under torch.no_grad() + detach -> stop_gradient
    rel = jax.lax.stop_gradient(points[:, :3] - mins)
    n = points.shape[0]
    B = xyz_batch_cnt.shape[0]
    batch_idx = jnp.repeat(jnp.arange(B, dtype=jnp.int32), xyz_batch_cnt, total_repeat_length=n)
    ix = jnp.clip(jnp.floor(rel[:, 0] / PILLAR_SIZE).astype(jnp.int32), 0, NX - 1)
    iy = jnp.clip(jnp.floor(rel[:, 1] / PILLAR_SIZE).astype(jnp.int32), 0, NY - 1)
    pid = batch_idx * (NX * NY) + iy * NX + ix
    num_seg = B * NX * NY
    counts = jax.ops.segment_sum(jnp.ones((n,), dtype=jnp.float32), pid, num_segments=num_seg)
    mean = jax.ops.segment_sum(rel, pid, num_segments=num_seg) / jnp.clip(counts, 1.0)[:, None]
    f_cluster = rel - mean[pid]
    cx = (ix.astype(jnp.float32) + 0.5) * PILLAR_SIZE
    cy = (iy.astype(jnp.float32) + 0.5) * PILLAR_SIZE
    z_center = 0.5 * (PC_RANGE[5] - PC_RANGE[2])
    f_center = jnp.stack([rel[:, 0] - cx, rel[:, 1] - cy, rel[:, 2] - z_center], axis=1)
    feats = jnp.concatenate([points, f_cluster, f_center], axis=1)  # [n, C_IN + 6]
    h = feats @ W
    h = h * gamma[None, :] + beta[None, :]  # BN affine (inference-style)
    h = jnp.maximum(h, 0.0)
    pooled = jax.ops.segment_max(h, pid, num_segments=num_seg)
    pooled = jnp.where(counts[:, None] > 0, pooled, 0.0)
    return pooled  # [B*NX*NY, C_OUT] dense pillar feature map


def reference(points, xyz_batch_cnt, W, gamma, beta):
    return _forward(points, xyz_batch_cnt, W, gamma, beta)

if __name__ == "__main__":
    import jax
    _d = setup_inputs()
    print(jax.jit(kernel)(*tuple(_d.values())))

</pallas_src>

<mosaic_0001>
module attributes {stable_mosaic.version = 14 : i64} {
  func.func @_point_stage_body(%arg0: i32, %arg1: memref<4096x4xf32, #tpu.memory_space<vmem>>, %arg2: memref<10x64xf32, #tpu.memory_space<vmem>>, %arg3: memref<64xf32, #tpu.memory_space<vmem>>, %arg4: memref<4096xi32, #tpu.memory_space<vmem>>, %arg5: memref<4096x4xf32, #tpu.memory_space<vmem>>, %arg6: memref<4096x64xf32, #tpu.memory_space<vmem>>) attributes {dimension_semantics = [#tpu.dimension_semantics<arbitrary>], iteration_bounds = array<i64: 50>, scalar_prefetch = 0 : i64, scratch_operands = 0 : i64, tpu.core_type = #tpu.core_type<tc>, window_params = [{transform_indices = @transform_0, window_bounds = array<i64: 4096, 4>}, {pipeline_mode = #tpu.pipeline_mode<synchronous>, transform_indices = @transform_1, window_bounds = array<i64: 10, 64>}, {pipeline_mode = #tpu.pipeline_mode<synchronous>, transform_indices = @transform_2, window_bounds = array<i64: 64>}, {transform_indices = @transform_3, window_bounds = array<i64: 4096>}, {transform_indices = @transform_4, window_bounds = array<i64: 4096, 4>}, {transform_indices = @transform_5, window_bounds = array<i64: 4096, 64>}]} {
    %get3A = arith.constant 0 : index
    %get3A_0 = arith.constant 0 : index
    %get3A_1 = vector.load %arg1[%get3A, %get3A_0] : memref<4096x4xf32, #tpu.memory_space<vmem>>, vector<4096x4xf32>
    %slice3A = vector.extract_strided_slice %get3A_1 {offsets = [0, 0], sizes = [4096, 1], strides = [1, 1]} : vector<4096x4xf32> to vector<4096x1xf32>
    %sub3A = arith.constant 0.000000e+00 : f32
    %sub3A_2 = vector.broadcast %sub3A : f32 to vector<4096x1xf32>
    %sub3A_3 = arith.subf %slice3A, %sub3A_2 : vector<4096x1xf32>
    %slice3A_4 = vector.extract_strided_slice %get3A_1 {offsets = [0, 1], sizes = [4096, 1], strides = [1, 1]} : vector<4096x4xf32> to vector<4096x1xf32>
    %sub3A_5 = arith.constant -4.000000e+01 : f32
    %sub3A_6 = vector.broadcast %sub3A_5 : f32 to vector<4096x1xf32>
    %sub3A_7 = arith.subf %slice3A_4, %sub3A_6 : vector<4096x1xf32>
    %slice3A_8 = vector.extract_strided_slice %get3A_1 {offsets = [0, 2], sizes = [4096, 1], strides = [1, 1]} : vector<4096x4xf32> to vector<4096x1xf32>
    %sub3A_9 = arith.constant -3.000000e+00 : f32
    %sub3A_10 = vector.broadcast %sub3A_9 : f32 to vector<4096x1xf32>
    %sub3A_11 = arith.subf %slice3A_8, %sub3A_10 : vector<4096x1xf32>
    %div3A = arith.constant 3.200000e-01 : f32
    %div3A_12 = vector.broadcast %div3A : f32 to vector<4096x1xf32>
    %div3A_13 = arith.divf %sub3A_3, %div3A_12 : vector<4096x1xf32>
    %floor3A = math.floor %div3A_13 : vector<4096x1xf32>
    %convert_element_type3A = arith.fptosi %floor3A : vector<4096x1xf32> to vector<4096x1xi32>
    %jit3A = arith.constant 0 : i32
    %jit3A_14 = arith.constant 219 : i32
    %max3A = vector.broadcast %jit3A : i32 to vector<4096x1xi32>
    %max3A_15 = arith.maxsi %max3A, %convert_element_type3A : vector<4096x1xi32>
    %min3A = vector.broadcast %jit3A_14 : i32 to vector<4096x1xi32>
    %min3A_16 = arith.minsi %min3A, %max3A_15 : vector<4096x1xi32>
    %div3A_17 = arith.constant 3.200000e-01 : f32
    %div3A_18 = vector.broadcast %div3A_17 : f32 to vector<4096x1xf32>
    %div3A_19 = arith.divf %sub3A_7, %div3A_18 : vector<4096x1xf32>
    %floor3A_20 = math.floor %div3A_19 : vector<4096x1xf32>
    %convert_element_type3A_21 = arith.fptosi %floor3A_20 : vector<4096x1xf32> to vector<4096x1xi32>
    %jit3A_22 = arith.constant 0 : i32
    %jit3A_23 = arith.constant 249 : i32
    %max3A_24 = vector.broadcast %jit3A_22 : i32 to vector<4096x1xi32>
    %max3A_25 = arith.maxsi %max3A_24, %convert_element_type3A_21 : vector<4096x1xi32>
    %min3A_26 = vector.broadcast %jit3A_23 : i32 to vector<4096x1xi32>
    %min3A_27 = arith.minsi %min3A_26, %max3A_25 : vector<4096x1xi32>
    %mul3A = arith.constant 220 : i32
    %mul3A_28 = vector.broadcast %mul3A : i32 to vector<4096x1xi32>
    %mul3A_29 = arith.muli %min3A_27, %mul3A_28 : vector<4096x1xi32>
    %add3A = arith.addi %mul3A_29, %min3A_16 : vector<4096x1xi32>
    %mul3A_30 = arith.constant 4096 : i32
    %mul3A_31 = arith.muli %arg0, %mul3A_30 : i32
    %iota3A = tpu.iota {dimensions = array<i32: 0>} : vector<4096x1xi32>
    %add3A_32 = vector.broadcast %mul3A_31 : i32 to vector<4096x1xi32>
    %add3A_33 = arith.addi %add3A_32, %iota3A : vector<4096x1xi32>
    %lt3A = arith.constant 200000 : i32
    %lt3A_34 = vector.broadcast %lt3A : i32 to vector<4096x1xi32>
    %lt3A_35 = arith.cmpi slt, %add3A_33, %lt3A_34 : vector<4096x1xi32>
    %jit3A_36 = arith.constant 55039 : i32
    %broadcast_in_dim3A = vector.broadcast %jit3A_36 : i32 to vector<4096x1xi32>
    %select_n3A = arith.select %lt3A_35, %add3A, %broadcast_in_dim3A : vector<4096x1xi1>, vector<4096x1xi32>
    %squeeze3A = vector.shape_cast %select_n3A : vector<4096x1xi32> to vector<4096xi32>
    %swap3A = arith.constant 0 : index
    %swap3A_37 = vector.load %arg4[%swap3A] : memref<4096xi32, #tpu.memory_space<vmem>>, vector<4096xi32>
    tpu.vector_store %arg4[%swap3A], %squeeze3A {strides = array<i32>} : memref<4096xi32, #tpu.memory_space<vmem>>, vector<4096xi32>,
    %jit3A_38 = arith.constant 1.000000e+00 : f32
    %jit3A_39 = arith.constant 0.000000e+00 : f32
    %broadcast_in_dim3A_40 = vector.broadcast %jit3A_38 : f32 to vector<4096x1xf32>
    %broadcast_in_dim3A_41 = vector.broadcast %jit3A_39 : f32 to vector<4096x1xf32>
    %select_n3A_42 = arith.select %lt3A_35, %broadcast_in_dim3A_40, %broadcast_in_dim3A_41 : vector<4096x1xi1>, vector<4096x1xf32>
    %concatenate3A = tpu.concatenate %sub3A_3, %sub3A_7, %sub3A_11 in 1 : vector<4096x1xf32>, vector<4096x1xf32>, vector<4096x1xf32> -> vector<4096x3xf32>
    %jit3A_43 = arith.constant 0.000000e+00 : f32
    %broadcast_in_dim3A_44 = vector.shape_cast %lt3A_35 : vector<4096x1xi1> to vector<4096x1xi1>
    %broadcast_in_dim3A_45 = vector.broadcast %broadcast_in_dim3A_44 : vector<4096x1xi1> to vector<4096x3xi1>
    %broadcast_in_dim3A_46 = vector.broadcast %jit3A_43 : f32 to vector<4096x3xf32>
    %select_n3A_47 = arith.select %broadcast_in_dim3A_45, %concatenate3A, %broadcast_in_dim3A_46 : vector<4096x3xi1>, vector<4096x3xf32>
    %concatenate3A_48 = tpu.concatenate %select_n3A_42, %select_n3A_47 in 1 : vector<4096x1xf32>, vector<4096x3xf32> -> vector<4096x4xf32>
    %swap3A_49 = arith.constant 0 : index
    %swap3A_50 = arith.constant 0 : index
    %swap3A_51 = vector.load %arg5[%swap3A_49, %swap3A_50] : memref<4096x4xf32, #tpu.memory_space<vmem>>, vector<4096x4xf32>
    tpu.vector_store %arg5[%swap3A_49, %swap3A_50], %concatenate3A_48 {strides = array<i32>} : memref<4096x4xf32, #tpu.memory_space<vmem>>, vector<4096x4xf32>,
    %get3A_52 = arith.constant 0 : index
    %get3A_53 = arith.constant 0 : index
    %get3A_54 = vector.load %arg2[%get3A_52, %get3A_53] : memref<10x64xf32, #tpu.memory_space<vmem>>, vector<10x64xf32>
    %get3A_55 = arith.constant 0 : index
    %get3A_56 = vector.load %arg3[%get3A_55] : memref<64xf32, #tpu.memory_space<vmem>>, vector<64xf32>
    %broadcast_in_dim3A_57 = vector.shape_cast %get3A_56 : vector<64xf32> to vector<1x64xf32>
    %mul3A_58 = vector.broadcast %broadcast_in_dim3A_57 : vector<1x64xf32> to vector<10x64xf32>
    %mul3A_59 = arith.mulf %get3A_54, %mul3A_58 : vector<10x64xf32>
    %concatenate3A_60 = tpu.concatenate %get3A_1, %concatenate3A, %concatenate3A in 1 : vector<4096x4xf32>, vector<4096x3xf32>, vector<4096x3xf32> -> vector<4096x10xf32>
    %slice3A_61 = vector.extract_strided_slice %concatenate3A_60 {offsets = [0, 0], sizes = [4096, 1], strides = [1, 1]} : vector<4096x10xf32> to vector<4096x1xf32>
    %slice3A_62 = vector.extract_strided_slice %mul3A_59 {offsets = [0, 0], sizes = [1, 64], strides = [1, 1]} : vector<10x64xf32> to vector<1x64xf32>
    %squeeze3A_63 = vector.shape_cast %slice3A_62 : vector<1x64xf32> to vector<64xf32>
    %broadcast_in_dim3A_64 = vector.shape_cast %squeeze3A_63 : vector<64xf32> to vector<1x64xf32>
    %mul3A_65 = vector.broadcast %slice3A_61 : vector<4096x1xf32> to vector<4096x64xf32>
    %mul3A_66 = vector.broadcast %broadcast_in_dim3A_64 : vector<1x64xf32> to vector<4096x64xf32>
    %mul3A_67 = arith.mulf %mul3A_65, %mul3A_66 : vector<4096x64xf32>
    %slice3A_68 = vector.extract_strided_slice %concatenate3A_60 {offsets = [0, 1], sizes = [4096, 1], strides = [1, 1]} : vector<4096x10xf32> to vector<4096x1xf32>
    %slice3A_69 = vector.extract_strided_slice %mul3A_59 {offsets = [1, 0], sizes = [1, 64], strides = [1, 1]} : vector<10x64xf32> to vector<1x64xf32>
    %squeeze3A_70 = vector.shape_cast %slice3A_69 : vector<1x64xf32> to vector<64xf32>
    %broadcast_in_dim3A_71 = vector.shape_cast %squeeze3A_70 : vector<64xf32> to vector<1x64xf32>
    %mul3A_72 = vector.broadcast %slice3A_68 : vector<4096x1xf32> to vector<4096x64xf32>
    %mul3A_73 = vector.broadcast %broadcast_in_dim3A_71 : vector<1x64xf32> to vector<4096x64xf32>
    %mul3A_74 = arith.mulf %mul3A_72, %mul3A_73 : vector<4096x64xf32>
    %add3A_75 = arith.addf %mul3A_67, %mul3A_74 : vector<4096x64xf32>
    %slice3A_76 = vector.extract_strided_slice %concatenate3A_60 {offsets = [0, 2], sizes = [4096, 1], strides = [1, 1]} : vector<4096x10xf32> to vector<4096x1xf32>
    %slice3A_77 = vector.extract_strided_slice %mul3A_59 {offsets = [2, 0], sizes = [1, 64], strides = [1, 1]} : vector<10x64xf32> to vector<1x64xf32>
    %squeeze3A_78 = vector.shape_cast %slice3A_77 : vector<1x64xf32> to vector<64xf32>
    %broadcast_in_dim3A_79 = vector.shape_cast %squeeze3A_78 : vector<64xf32> to vector<1x64xf32>
    %mul3A_80 = vector.broadcast %slice3A_76 : vector<4096x1xf32> to vector<4096x64xf32>
    %mul3A_81 = vector.broadcast %broadcast_in_dim3A_79 : vector<1x64xf32> to vector<4096x64xf32>
    %mul3A_82 = arith.mulf %mul3A_80, %mul3A_81 : vector<4096x64xf32>
    %add3A_83 = arith.addf %add3A_75, %mul3A_82 : vector<4096x64xf32>
    %slice3A_84 = vector.extract_strided_slice %concatenate3A_60 {offsets = [0, 3], sizes = [4096, 1], strides = [1, 1]} : vector<4096x10xf32> to vector<4096x1xf32>
    %slice3A_85 = vector.extract_strided_slice %mul3A_59 {offsets = [3, 0], sizes = [1, 64], strides = [1, 1]} : vector<10x64xf32> to vector<1x64xf32>
    %squeeze3A_86 = vector.shape_cast %slice3A_85 : vector<1x64xf32> to vector<64xf32>
    %broadcast_in_dim3A_87 = vector.shape_cast %squeeze3A_86 : vector<64xf32> to vector<1x64xf32>
    %mul3A_88 = vector.broadcast %slice3A_84 : vector<4096x1xf32> to vector<4096x64xf32>
    %mul3A_89 = vector.broadcast %broadcast_in_dim3A_87 : vector<1x64xf32> to vector<4096x64xf32>
    %mul3A_90 = arith.mulf %mul3A_88, %mul3A_89 : vector<4096x64xf32>
    %add3A_91 = arith.addf %add3A_83, %mul3A_90 : vector<4096x64xf32>
    %slice3A_92 = vector.extract_strided_slice %concatenate3A_60 {offsets = [0, 4], sizes = [4096, 1], strides = [1, 1]} : vector<4096x10xf32> to vector<4096x1xf32>
    %slice3A_93 = vector.extract_strided_slice %mul3A_59 {offsets = [4, 0], sizes = [1, 64], strides = [1, 1]} : vector<10x64xf32> to vector<1x64xf32>
    %squeeze3A_94 = vector.shape_cast %slice3A_93 : vector<1x64xf32> to vector<64xf32>
    %broadcast_in_dim3A_95 = vector.shape_cast %squeeze3A_94 : vector<64xf32> to vector<1x64xf32>
    %mul3A_96 = vector.broadcast %slice3A_92 : vector<4096x1xf32> to vector<4096x64xf32>
    %mul3A_97 = vector.broadcast %broadcast_in_dim3A_95 : vector<1x64xf32> to vector<4096x64xf32>
    %mul3A_98 = arith.mulf %mul3A_96, %mul3A_97 : vector<4096x64xf32>
    %add3A_99 = arith.addf %add3A_91, %mul3A_98 : vector<4096x64xf32>
    %slice3A_100 = vector.extract_strided_slice %concatenate3A_60 {offsets = [0, 5], sizes = [4096, 1], strides = [1, 1]} : vector<4096x10xf32> to vector<4096x1xf32>
    %slice3A_101 = vector.extract_strided_slice %mul3A_59 {offsets = [5, 0], sizes = [1, 64], strides = [1, 1]} : vector<10x64xf32> to vector<1x64xf32>
    %squeeze3A_102 = vector.shape_cast %slice3A_101 : vector<1x64xf32> to vector<64xf32>
    %broadcast_in_dim3A_103 = vector.shape_cast %squeeze3A_102 : vector<64xf32> to vector<1x64xf32>
    %mul3A_104 = vector.broadcast %slice3A_100 : vector<4096x1xf32> to vector<4096x64xf32>
    %mul3A_105 = vector.broadcast %broadcast_in_dim3A_103 : vector<1x64xf32> to vector<4096x64xf32>
    %mul3A_106 = arith.mulf %mul3A_104, %mul3A_105 : vector<4096x64xf32>
    %add3A_107 = arith.addf %add3A_99, %mul3A_106 : vector<4096x64xf32>
    %slice3A_108 = vector.extract_strided_slice %concatenate3A_60 {offsets = [0, 6], sizes = [4096, 1], strides = [1, 1]} : vector<4096x10xf32> to vector<4096x1xf32>
    %slice3A_109 = vector.extract_strided_slice %mul3A_59 {offsets = [6, 0], sizes = [1, 64], strides = [1, 1]} : vector<10x64xf32> to vector<1x64xf32>
    %squeeze3A_110 = vector.shape_cast %slice3A_109 : vector<1x64xf32> to vector<64xf32>
    %broadcast_in_dim3A_111 = vector.shape_cast %squeeze3A_110 : vector<64xf32> to vector<1x64xf32>
    %mul3A_112 = vector.broadcast %slice3A_108 : vector<4096x1xf32> to vector<4096x64xf32>
    %mul3A_113 = vector.broadcast %broadcast_in_dim3A_111 : vector<1x64xf32> to vector<4096x64xf32>
    %mul3A_114 = arith.mulf %mul3A_112, %mul3A_113 : vector<4096x64xf32>
    %add3A_115 = arith.addf %add3A_107, %mul3A_114 : vector<4096x64xf32>
    %slice3A_116 = vector.extract_strided_slice %concatenate3A_60 {offsets = [0, 7], sizes = [4096, 1], strides = [1, 1]} : vector<4096x10xf32> to vector<4096x1xf32>
    %slice3A_117 = vector.extract_strided_slice %mul3A_59 {offsets = [7, 0], sizes = [1, 64], strides = [1, 1]} : vector<10x64xf32> to vector<1x64xf32>
    %squeeze3A_118 = vector.shape_cast %slice3A_117 : vector<1x64xf32> to vector<64xf32>
    %broadcast_in_dim3A_119 = vector.shape_cast %squeeze3A_118 : vector<64xf32> to vector<1x64xf32>
    %mul3A_120 = vector.broadcast %slice3A_116 : vector<4096x1xf32> to vector<4096x64xf32>
    %mul3A_121 = vector.broadcast %broadcast_in_dim3A_119 : vector<1x64xf32> to vector<4096x64xf32>
    %mul3A_122 = arith.mulf %mul3A_120, %mul3A_121 : vector<4096x64xf32>
    %add3A_123 = arith.addf %add3A_115, %mul3A_122 : vector<4096x64xf32>
    %slice3A_124 = vector.extract_strided_slice %concatenate3A_60 {offsets = [0, 8], sizes = [4096, 1], strides = [1, 1]} : vector<4096x10xf32> to vector<4096x1xf32>
    %slice3A_125 = vector.extract_strided_slice %mul3A_59 {offsets = [8, 0], sizes = [1, 64], strides = [1, 1]} : vector<10x64xf32> to vector<1x64xf32>
    %squeeze3A_126 = vector.shape_cast %slice3A_125 : vector<1x64xf32> to vector<64xf32>
    %broadcast_in_dim3A_127 = vector.shape_cast %squeeze3A_126 : vector<64xf32> to vector<1x64xf32>
    %mul3A_128 = vector.broadcast %slice3A_124 : vector<4096x1xf32> to vector<4096x64xf32>
    %mul3A_129 = vector.broadcast %broadcast_in_dim3A_127 : vector<1x64xf32> to vector<4096x64xf32>
    %mul3A_130 = arith.mulf %mul3A_128, %mul3A_129 : vector<4096x64xf32>
    %add3A_131 = arith.addf %add3A_123, %mul3A_130 : vector<4096x64xf32>
    %slice3A_132 = vector.extract_strided_slice %concatenate3A_60 {offsets = [0, 9], sizes = [4096, 1], strides = [1, 1]} : vector<4096x10xf32> to vector<4096x1xf32>
    %slice3A_133 = vector.extract_strided_slice %mul3A_59 {offsets = [9, 0], sizes = [1, 64], strides = [1, 1]} : vector<10x64xf32> to vector<1x64xf32>
    %squeeze3A_134 = vector.shape_cast %slice3A_133 : vector<1x64xf32> to vector<64xf32>
    %broadcast_in_dim3A_135 = vector.shape_cast %squeeze3A_134 : vector<64xf32> to vector<1x64xf32>
    %mul3A_136 = vector.broadcast %slice3A_132 : vector<4096x1xf32> to vector<4096x64xf32>
    %mul3A_137 = vector.broadcast %broadcast_in_dim3A_135 : vector<1x64xf32> to vector<4096x64xf32>
    %mul3A_138 = arith.mulf %mul3A_136, %mul3A_137 : vector<4096x64xf32>
    %add3A_139 = arith.addf %add3A_131, %mul3A_138 : vector<4096x64xf32>
    %swap3A_140 = arith.constant 0 : index
    %swap3A_141 = arith.constant 0 : index
    %swap3A_142 = vector.load %arg6[%swap3A_140, %swap3A_141] : memref<4096x64xf32, #tpu.memory_space<vmem>>, vector<4096x64xf32>
    tpu.vector_store %arg6[%swap3A_140, %swap3A_141], %add3A_139 {strides = array<i32>} : memref<4096x64xf32, #tpu.memory_space<vmem>>, vector<4096x64xf32>,
    return
  }
  func.func @transform_0(%arg0: i32) -> (i32, i32) {
    %c0_i32 = arith.constant 0 : i32
    %c0_i32_0 = arith.constant 0 : i32
    return %arg0, %c0_i32 : i32, i32
  }
  func.func @transform_1(%arg0: i32) -> (i32, i32) {
    %c0_i32 = arith.constant 0 : i32
    %c0_i32_0 = arith.constant 0 : i32
    %c0_i32_1 = arith.constant 0 : i32
    return %c0_i32, %c0_i32_0 : i32, i32
  }
  func.func @transform_2(%arg0: i32) -> i32 {
    %c0_i32 = arith.constant 0 : i32
    %c0_i32_0 = arith.constant 0 : i32
    return %c0_i32 : i32
  }
  func.func @transform_3(%arg0: i32) -> i32 {
    %c0_i32 = arith.constant 0 : i32
    return %arg0 : i32
  }
  func.func @transform_4(%arg0: i32) -> (i32, i32) {
    %c0_i32 = arith.constant 0 : i32
    %c0_i32_0 = arith.constant 0 : i32
    return %arg0, %c0_i32 : i32, i32
  }
  func.func @transform_5(%arg0: i32) -> (i32, i32) {
    %c0_i32 = arith.constant 0 : i32
    %c0_i32_0 = arith.constant 0 : i32
    return %arg0, %c0_i32 : i32, i32
  }
}

module attributes {stable_mosaic.version = 14 : i64} {
  func.func @_pillar_stage_body(%arg0: i32, %arg1: memref<1x1280x4xf32, #tpu.memory_space<vmem>>, %arg2: memref<1280x64xf32, #tpu.memory_space<vmem>>, %arg3: memref<10x64xf32, #tpu.memory_space<vmem>>, %arg4: memref<64xf32, #tpu.memory_space<vmem>>, %arg5: memref<64xf32, #tpu.memory_space<vmem>>, %arg6: memref<1280x64xf32, #tpu.memory_space<vmem>>) attributes {dimension_semantics = [#tpu.dimension_semantics<arbitrary>], iteration_bounds = array<i64: 43>, scalar_prefetch = 0 : i64, scratch_operands = 0 : i64, tpu.core_type = #tpu.core_type<tc>, window_params = [{transform_indices = @transform_0, window_bounds = array<i64: 1, 1280, 4>}, {transform_indices = @transform_1, window_bounds = array<i64: 1280, 64>}, {pipeline_mode = #tpu.pipeline_mode<synchronous>, transform_indices = @transform_2, window_bounds = array<i64: 10, 64>}, {pipeline_mode = #tpu.pipeline_mode<synchronous>, transform_indices = @transform_3, window_bounds = array<i64: 64>}, {pipeline_mode = #tpu.pipeline_mode<synchronous>, transform_indices = @transform_4, window_bounds = array<i64: 64>}, {transform_indices = @transform_5, window_bounds = array<i64: 1280, 64>}]} {
    %get3A = arith.constant 0 : index
    %get3A_0 = arith.constant 0 : index
    %get3A_1 = arith.constant 0 : index
    %get3A_2 = vector.load %arg1[%get3A, %get3A_0, %get3A_1] : memref<1x1280x4xf32, #tpu.memory_space<vmem>>, vector<1x1280x4xf32>
    %get3A_3 = vector.shape_cast %get3A_2 : vector<1x1280x4xf32> to vector<1280x4xf32>
    %slice3A = vector.extract_strided_slice %get3A_3 {offsets = [0, 0], sizes = [1280, 1], strides = [1, 1]} : vector<1280x4xf32> to vector<1280x1xf32>
    %slice3A_4 = vector.extract_strided_slice %get3A_3 {offsets = [0, 1], sizes = [1280, 3], strides = [1, 1]} : vector<1280x4xf32> to vector<1280x3xf32>
    %max3A = arith.constant 1.000000e+00 : f32
    %max3A_5 = vector.broadcast %max3A : f32 to vector<1280x1xf32>
    %max3A_6 = arith.maximumf %slice3A, %max3A_5 : vector<1280x1xf32>
    %div3A = vector.broadcast %max3A_6 : vector<1280x1xf32> to vector<1280x3xf32>
    %div3A_7 = arith.divf %slice3A_4, %div3A : vector<1280x3xf32>
    %mul3A = arith.constant 1280 : i32
    %mul3A_8 = arith.muli %arg0, %mul3A : i32
    %iota3A = tpu.iota {dimensions = array<i32: 0>} : vector<1280x1xi32>
    %add3A = vector.broadcast %mul3A_8 : i32 to vector<1280x1xi32>
    %add3A_9 = arith.addi %add3A, %iota3A : vector<1280x1xi32>
    %rem3A = arith.constant 220 : i32
    %rem3A_10 = vector.broadcast %rem3A : i32 to vector<1280x1xi32>
    %rem3A_11 = arith.remsi %add3A_9, %rem3A_10 : vector<1280x1xi32>
    %jit3A = arith.constant 220 : i32
    %div3A_12 = vector.broadcast %jit3A : i32 to vector<1280x1xi32>
    %div3A_13 = arith.divsi %add3A_9, %div3A_12 : vector<1280x1xi32>
    %sign3A = arith.constant 0 : i32
    %sign3A_14 = vector.broadcast %sign3A : i32 to vector<1280x1xi32>
    %sign3A_15 = arith.cmpi sgt, %add3A_9, %sign3A_14 : vector<1280x1xi32>
    %sign3A_16 = arith.extui %sign3A_15 : vector<1280x1xi1> to vector<1280x1xi32>
    %sign3A_17 = arith.constant 0 : i32
    %sign3A_18 = vector.broadcast %sign3A_17 : i32 to vector<1280x1xi32>
    %sign3A_19 = arith.cmpi slt, %add3A_9, %sign3A_18 : vector<1280x1xi32>
    %sign3A_20 = arith.extui %sign3A_19 : vector<1280x1xi1> to vector<1280x1xi32>
    %sign3A_21 = arith.subi %sign3A_16, %sign3A_20 : vector<1280x1xi32>
    %sign3A_22 = arith.constant 0 : i32
    %sign3A_23 = arith.cmpi sgt, %jit3A, %sign3A_22 : i32
    %sign3A_24 = arith.extui %sign3A_23 : i1 to i32
    %sign3A_25 = arith.constant 0 : i32
    %sign3A_26 = arith.cmpi slt, %jit3A, %sign3A_25 : i32
    %sign3A_27 = arith.extui %sign3A_26 : i1 to i32
    %sign3A_28 = arith.subi %sign3A_24, %sign3A_27 : i32
    %ne3A = vector.broadcast %sign3A_28 : i32 to vector<1280x1xi32>
    %ne3A_29 = arith.cmpi ne, %sign3A_21, %ne3A : vector<1280x1xi32>
    %rem3A_30 = vector.broadcast %jit3A : i32 to vector<1280x1xi32>
    %rem3A_31 = arith.remsi %add3A_9, %rem3A_30 : vector<1280x1xi32>
    %ne3A_32 = arith.constant 0 : i32
    %ne3A_33 = vector.broadcast %ne3A_32 : i32 to vector<1280x1xi32>
    %ne3A_34 = arith.cmpi ne, %rem3A_31, %ne3A_33 : vector<1280x1xi32>
    %and3A = arith.andi %ne3A_29, %ne3A_34 : vector<1280x1xi1>
    %sub3A = arith.constant 1 : i32
    %sub3A_35 = vector.broadcast %sub3A : i32 to vector<1280x1xi32>
    %sub3A_36 = arith.subi %div3A_13, %sub3A_35 : vector<1280x1xi32>
    %select_n3A = arith.select %and3A, %sub3A_36, %div3A_13 : vector<1280x1xi1>, vector<1280x1xi32>
    %rem3A_37 = arith.constant 250 : i32
    %rem3A_38 = vector.broadcast %rem3A_37 : i32 to vector<1280x1xi32>
    %rem3A_39 = arith.remsi %select_n3A, %rem3A_38 : vector<1280x1xi32>
    %convert_element_type3A = arith.sitofp %rem3A_11 : vector<1280x1xi32> to vector<1280x1xf32>
    %add3A_40 = arith.constant 5.000000e-01 : f32
    %add3A_41 = vector.broadcast %add3A_40 : f32 to vector<1280x1xf32>
    %add3A_42 = arith.addf %convert_element_type3A, %add3A_41 : vector<1280x1xf32>
    %mul3A_43 = arith.constant 3.200000e-01 : f32
    %mul3A_44 = vector.broadcast %mul3A_43 : f32 to vector<1280x1xf32>
    %mul3A_45 = arith.mulf %add3A_42, %mul3A_44 : vector<1280x1xf32>
    %convert_element_type3A_46 = arith.sitofp %rem3A_39 : vector<1280x1xi32> to vector<1280x1xf32>
    %add3A_47 = arith.constant 5.000000e-01 : f32
    %add3A_48 = vector.broadcast %add3A_47 : f32 to vector<1280x1xf32>
    %add3A_49 = arith.addf %convert_element_type3A_46, %add3A_48 : vector<1280x1xf32>
    %mul3A_50 = arith.constant 3.200000e-01 : f32
    %mul3A_51 = vector.broadcast %mul3A_50 : f32 to vector<1280x1xf32>
    %mul3A_52 = arith.mulf %add3A_49, %mul3A_51 : vector<1280x1xf32>
    %get3A_53 = arith.constant 0 : index
    %get3A_54 = arith.constant 0 : index
    %get3A_55 = vector.load %arg3[%get3A_53, %get3A_54] : memref<10x64xf32, #tpu.memory_space<vmem>>, vector<10x64xf32>
    %get3A_56 = arith.constant 0 : index
    %get3A_57 = vector.load %arg4[%get3A_56] : memref<64xf32, #tpu.memory_space<vmem>>, vector<64xf32>
    %broadcast_in_dim3A = vector.shape_cast %get3A_57 : vector<64xf32> to vector<1x64xf32>
    %mul3A_58 = vector.broadcast %broadcast_in_dim3A : vector<1x64xf32> to vector<10x64xf32>
    %mul3A_59 = arith.mulf %get3A_55, %mul3A_58 : vector<10x64xf32>
    %neg3A = arith.constant 0.000000e+00 : f32
    %neg3A_60 = vector.broadcast %neg3A : f32 to vector<1280x3xf32>
    %neg3A_61 = arith.subf %neg3A_60, %div3A_7 : vector<1280x3xf32>
    %neg3A_62 = arith.constant 0.000000e+00 : f32
    %neg3A_63 = vector.broadcast %neg3A_62 : f32 to vector<1280x1xf32>
    %neg3A_64 = arith.subf %neg3A_63, %mul3A_45 : vector<1280x1xf32>
    %neg3A_65 = arith.constant 0.000000e+00 : f32
    %neg3A_66 = vector.broadcast %neg3A_65 : f32 to vector<1280x1xf32>
    %neg3A_67 = arith.subf %neg3A_66, %mul3A_52 : vector<1280x1xf32>
    %broadcast_in_dim3A_68 = arith.constant -2.000000e+00 : f32
    %broadcast_in_dim3A_69 = vector.broadcast %broadcast_in_dim3A_68 : f32 to vector<1280x1xf32>
    %concatenate3A = tpu.concatenate %neg3A_61, %neg3A_64, %neg3A_67, %broadcast_in_dim3A_69 in 1 : vector<1280x3xf32>, vector<1280x1xf32>, vector<1280x1xf32>, vector<1280x1xf32> -> vector<1280x6xf32>
    %slice3A_70 = vector.extract_strided_slice %concatenate3A {offsets = [0, 0], sizes = [1280, 1], strides = [1, 1]} : vector<1280x6xf32> to vector<1280x1xf32>
    %slice3A_71 = vector.extract_strided_slice %mul3A_59 {offsets = [4, 0], sizes = [1, 64], strides = [1, 1]} : vector<10x64xf32> to vector<1x64xf32>
    %squeeze3A = vector.shape_cast %slice3A_71 : vector<1x64xf32> to vector<64xf32>
    %broadcast_in_dim3A_72 = vector.shape_cast %squeeze3A : vector<64xf32> to vector<1x64xf32>
    %mul3A_73 = vector.broadcast %slice3A_70 : vector<1280x1xf32> to vector<1280x64xf32>
    %mul3A_74 = vector.broadcast %broadcast_in_dim3A_72 : vector<1x64xf32> to vector<1280x64xf32>
    %mul3A_75 = arith.mulf %mul3A_73, %mul3A_74 : vector<1280x64xf32>
    %slice3A_76 = vector.extract_strided_slice %concatenate3A {offsets = [0, 1], sizes = [1280, 1], strides = [1, 1]} : vector<1280x6xf32> to vector<1280x1xf32>
    %slice3A_77 = vector.extract_strided_slice %mul3A_59 {offsets = [5, 0], sizes = [1, 64], strides = [1, 1]} : vector<10x64xf32> to vector<1x64xf32>
    %squeeze3A_78 = vector.shape_cast %slice3A_77 : vector<1x64xf32> to vector<64xf32>
    %broadcast_in_dim3A_79 = vector.shape_cast %squeeze3A_78 : vector<64xf32> to vector<1x64xf32>
    %mul3A_80 = vector.broadcast %slice3A_76 : vector<1280x1xf32> to vector<1280x64xf32>
    %mul3A_81 = vector.broadcast %broadcast_in_dim3A_79 : vector<1x64xf32> to vector<1280x64xf32>
    %mul3A_82 = arith.mulf %mul3A_80, %mul3A_81 : vector<1280x64xf32>
    %add3A_83 = arith.addf %mul3A_75, %mul3A_82 : vector<1280x64xf32>
    %slice3A_84 = vector.extract_strided_slice %concatenate3A {offsets = [0, 2], sizes = [1280, 1], strides = [1, 1]} : vector<1280x6xf32> to vector<1280x1xf32>
    %slice3A_85 = vector.extract_strided_slice %mul3A_59 {offsets = [6, 0], sizes = [1, 64], strides = [1, 1]} : vector<10x64xf32> to vector<1x64xf32>
    %squeeze3A_86 = vector.shape_cast %slice3A_85 : vector<1x64xf32> to vector<64xf32>
    %broadcast_in_dim3A_87 = vector.shape_cast %squeeze3A_86 : vector<64xf32> to vector<1x64xf32>
    %mul3A_88 = vector.broadcast %slice3A_84 : vector<1280x1xf32> to vector<1280x64xf32>
    %mul3A_89 = vector.broadcast %broadcast_in_dim3A_87 : vector<1x64xf32> to vector<1280x64xf32>
    %mul3A_90 = arith.mulf %mul3A_88, %mul3A_89 : vector<1280x64xf32>
    %add3A_91 = arith.addf %add3A_83, %mul3A_90 : vector<1280x64xf32>
    %slice3A_92 = vector.extract_strided_slice %concatenate3A {offsets = [0, 3], sizes = [1280, 1], strides = [1, 1]} : vector<1280x6xf32> to vector<1280x1xf32>
    %slice3A_93 = vector.extract_strided_slice %mul3A_59 {offsets = [7, 0], sizes = [1, 64], strides = [1, 1]} : vector<10x64xf32> to vector<1x64xf32>
    %squeeze3A_94 = vector.shape_cast %slice3A_93 : vector<1x64xf32> to vector<64xf32>
    %broadcast_in_dim3A_95 = vector.shape_cast %squeeze3A_94 : vector<64xf32> to vector<1x64xf32>
    %mul3A_96 = vector.broadcast %slice3A_92 : vector<1280x1xf32> to vector<1280x64xf32>
    %mul3A_97 = vector.broadcast %broadcast_in_dim3A_95 : vector<1x64xf32> to vector<1280x64xf32>
    %mul3A_98 = arith.mulf %mul3A_96, %mul3A_97 : vector<1280x64xf32>
    %add3A_99 = arith.addf %add3A_91, %mul3A_98 : vector<1280x64xf32>
    %slice3A_100 = vector.extract_strided_slice %concatenate3A {offsets = [0, 4], sizes = [1280, 1], strides = [1, 1]} : vector<1280x6xf32> to vector<1280x1xf32>
    %slice3A_101 = vector.extract_strided_slice %mul3A_59 {offsets = [8, 0], sizes = [1, 64], strides = [1, 1]} : vector<10x64xf32> to vector<1x64xf32>
    %squeeze3A_102 = vector.shape_cast %slice3A_101 : vector<1x64xf32> to vector<64xf32>
    %broadcast_in_dim3A_103 = vector.shape_cast %squeeze3A_102 : vector<64xf32> to vector<1x64xf32>
    %mul3A_104 = vector.broadcast %slice3A_100 : vector<1280x1xf32> to vector<1280x64xf32>
    %mul3A_105 = vector.broadcast %broadcast_in_dim3A_103 : vector<1x64xf32> to vector<1280x64xf32>
    %mul3A_106 = arith.mulf %mul3A_104, %mul3A_105 : vector<1280x64xf32>
    %add3A_107 = arith.addf %add3A_99, %mul3A_106 : vector<1280x64xf32>
    %slice3A_108 = vector.extract_strided_slice %concatenate3A {offsets = [0, 5], sizes = [1280, 1], strides = [1, 1]} : vector<1280x6xf32> to vector<1280x1xf32>
    %slice3A_109 = vector.extract_strided_slice %mul3A_59 {offsets = [9, 0], sizes = [1, 64], strides = [1, 1]} : vector<10x64xf32> to vector<1x64xf32>
    %squeeze3A_110 = vector.shape_cast %slice3A_109 : vector<1x64xf32> to vector<64xf32>
    %broadcast_in_dim3A_111 = vector.shape_cast %squeeze3A_110 : vector<64xf32> to vector<1x64xf32>
    %mul3A_112 = vector.broadcast %slice3A_108 : vector<1280x1xf32> to vector<1280x64xf32>
    %mul3A_113 = vector.broadcast %broadcast_in_dim3A_111 : vector<1x64xf32> to vector<1280x64xf32>
    %mul3A_114 = arith.mulf %mul3A_112, %mul3A_113 : vector<1280x64xf32>
    %add3A_115 = arith.addf %add3A_107, %mul3A_114 : vector<1280x64xf32>
    %get3A_116 = arith.constant 0 : index
    %get3A_117 = arith.constant 0 : index
    %get3A_118 = vector.load %arg2[%get3A_116, %get3A_117] : memref<1280x64xf32, #tpu.memory_space<vmem>>, vector<1280x64xf32>
    %add3A_119 = arith.addf %get3A_118, %add3A_115 : vector<1280x64xf32>
    %get3A_120 = arith.constant 0 : index
    %get3A_121 = vector.load %arg5[%get3A_120] : memref<64xf32, #tpu.memory_space<vmem>>, vector<64xf32>
    %broadcast_in_dim3A_122 = vector.shape_cast %get3A_121 : vector<64xf32> to vector<1x64xf32>
    %add3A_123 = vector.broadcast %broadcast_in_dim3A_122 : vector<1x64xf32> to vector<1280x64xf32>
    %add3A_124 = arith.addf %add3A_119, %add3A_123 : vector<1280x64xf32>
    %gt3A = arith.constant 0.000000e+00 : f32
    %gt3A_125 = vector.broadcast %gt3A : f32 to vector<1280x1xf32>
    %gt3A_126 = arith.cmpf ogt, %slice3A, %gt3A_125 : vector<1280x1xf32>
    %max3A_127 = arith.constant 0.000000e+00 : f32
    %max3A_128 = vector.broadcast %max3A_127 : f32 to vector<1280x64xf32>
    %max3A_129 = arith.maximumf %add3A_124, %max3A_128 : vector<1280x64xf32>
    %jit3A_130 = arith.constant 0.000000e+00 : f32
    %broadcast_in_dim3A_131 = vector.shape_cast %gt3A_126 : vector<1280x1xi1> to vector<1280x1xi1>
    %broadcast_in_dim3A_132 = vector.broadcast %broadcast_in_dim3A_131 : vector<1280x1xi1> to vector<1280x64xi1>
    %broadcast_in_dim3A_133 = vector.broadcast %jit3A_130 : f32 to vector<1280x64xf32>
    %select_n3A_134 = arith.select %broadcast_in_dim3A_132, %max3A_129, %broadcast_in_dim3A_133 : vector<1280x64xi1>, vector<1280x64xf32>
    %swap3A = arith.constant 0 : index
    %swap3A_135 = arith.constant 0 : index
    %swap3A_136 = vector.load %arg6[%swap3A, %swap3A_135] : memref<1280x64xf32, #tpu.memory_space<vmem>>, vector<1280x64xf32>
    tpu.vector_store %arg6[%swap3A, %swap3A_135], %select_n3A_134 {strides = array<i32>} : memref<1280x64xf32, #tpu.memory_space<vmem>>, vector<1280x64xf32>,
    return
  }
  func.func @transform_0(%arg0: i32) -> (i32, i32, i32) {
    %c0_i32 = arith.constant 0 : i32
    %c0_i32_0 = arith.constant 0 : i32
    %c0_i32_1 = arith.constant 0 : i32
    return %c0_i32, %arg0, %c0_i32_0 : i32, i32, i32
  }
  func.func @transform_1(%arg0: i32) -> (i32, i32) {
    %c0_i32 = arith.constant 0 : i32
    %c0_i32_0 = arith.constant 0 : i32
    return %arg0, %c0_i32 : i32, i32
  }
  func.func @transform_2(%arg0: i32) -> (i32, i32) {
    %c0_i32 = arith.constant 0 : i32
    %c0_i32_0 = arith.constant 0 : i32
    %c0_i32_1 = arith.constant 0 : i32
    return %c0_i32, %c0_i32_0 : i32, i32
  }
  func.func @transform_3(%arg0: i32) -> i32 {
    %c0_i32 = arith.constant 0 : i32
    %c0_i32_0 = arith.constant 0 : i32
    return %c0_i32 : i32
  }
  func.func @transform_4(%arg0: i32) -> i32 {
    %c0_i32 = arith.constant 0 : i32
    %c0_i32_0 = arith.constant 0 : i32
    return %c0_i32 : i32
  }
  func.func @transform_5(%arg0: i32) -> (i32, i32) {
    %c0_i32 = arith.constant 0 : i32
    %c0_i32_0 = arith.constant 0 : i32
    return %arg0, %c0_i32 : i32, i32
  }
}

</mosaic_0001>

<sc_bundles>
// kernel: scatter_offload_async_start.1
scs
__scs_entry_jumppad:
0x0: {  	(pc) =	sbr.rel $0x88, $3  }
0x1: {  	(tag) =	ssettag $0x0;
	lr =	simm.s32 $0x1  }
0x2: {  	[smem:$0x3F9D] =	sst lr;
	_ =	strace $0xD0000000  }
0x3: {  	_ = 	snop  }
0x4: {  	_ = 	snop  }
0x5: {  	_ = 	snop  }
0x6: {  	_ = 	snop  }
0x7: {  	_ = 	snop  }
__scs_overlays_trampoline_lowered:
0x8: {  	[smem:$0x3FAC] =	sst s0  }
0x9: {  	[smem:$0x3FAD] =	sst s1  }
0xa: {  	[smem:$0x3FAE] =	sst s2  }
0xb: {  	[smem:$0x3FAF] =	sst s3  }
0xc: {  	[smem:$0x3FB0] =	sst s4  }
0xd: {  	[smem:$0x3FB1] =	sst s5  }
0xe: {  	[smem:$0x3FB2] =	sst s6  }
0xf: {  	[smem:$0x3FB3] =	sst s7  }
0x10: {  	[smem:$0x3FB4] =	sst s8  }
0x11: {  	[smem:$0x3FB5] =	sst s9;
	s0 =	simm.s32 @!p0 $0x0  }
0x12: {  	s1 =	sld [smem:$0x3F9B];
	s0 =	simm.s32 @p0 $0x1  }
0x13: {  	[smem:$0x3FB6] =	sst s0;
	s0 =	simm.s32 @!p1 $0x0  }
0x14: {  	s2 =	sld [smem:$0x3F9A];
	s0 =	simm.s32 @p1 $0x1  }
0x15: {  	[smem:$0x3FB7] =	sst s0;
	s0 =	simm.s32 @!p2 $0x0  }
0x16: {  	s3 =	sld [smem:$0x3FDB];
	s0 =	simm.s32 @p2 $0x1  }
0x17: {  	s4 =	simm.s32 $0x1BF5;
	[smem:$0x3FB9] =	sst s0  }
0x18: {  	s0 =	sld [smem:$0x3F9C];
	_ =	swait.ge [sflag:s4], $0x0  }
0x19: {  	s7 =	sld [smem:$0x3F9D]  }
0x1a: {  	s8 =	sadd.s32 $0xFFFFE003, lr  }
0x1b: {  	s9 =	sadd.s32 $0xFFFFFEF7, lr;
	s5 =	simm.s32 $0xFFFFFFFF;
	p2 =	slt.u32 s8, $0xFFFFF086  }
0x1c: {  	p1 =	slt.u32 s9, $0xF7A;
	s5 =	simm.s32 @!p2 $0x0  }
0x1d: {  	s5 =	simm.s32 @p1 $0x1;
	p0 =	seq.s32 s7, s2  }
0x1e: {  	s7 =	smul.u32 @!p0 $0xF7A, s2;
	p2 =	seq.s32 @!p0 s5, $0x0  }
0x1f: {  	s9 =	smul.u32 $0xF7A, s1;
	s8 =	simm.s32 @!p0 $0x1BF5;
	p2 =	por !p2, p0  }
0x20: {  	[sflag:s8] =	ssyncset.s32 @!p0 $0xFFFFF086;
	s6 =	sadd.s32 @!p0 s3, s7;
	s7 =	simm.s32 @!p0 $0x108  }
0x21: {  	s3 =	sadd.s32 s3, s9;
	s6 =	sadd.s32 @!p0 $0x88, s6;
	s7 =	simm.s32 @p2 $0x1082  }
0x22: {  	[simem:s7], [sflag:s8] =	dma.local @!p0 [hbm:s6], $0xF7A  }
0x23: {  	s9 =	sor.u32 $0xD0000000, s2;
	s6 =	simm.s32 $0x108;
	_ =	swait.ge @!p0 [sflag:s8], $0x0  }
0x24: {  	s3 =	sadd.s32 $0x88, s3;
	s6 =	simm.s32 @!p1 $0x1082;
	[sflag:s4] =	ssyncset.s32 $0xFFFFF086  }
0x25: {  	[simem:s6], [sflag:s4] =	dma.local [hbm:s3], $0xF7A  }
0x26: {  	[smem:$0x3F9D] =	sst s1;
	(tag) =	ssettag s2;
	_ =	strace s9  }
0x27: {  	s1 =	sld [smem:$0x3FAD]  }
0x28: {  	s2 =	sld [smem:$0x3FAE]  }
0x29: {  	s4 =	sld [smem:$0x3FB0]  }
0x2a: {  	p0 =	seq.s32 s5, $0x0;
	s5 =	sld [smem:$0x3FB1]  }
0x2b: {  	s6 =	sld [smem:$0x3FB2]  }
0x2c: {  	s7 =	sld [smem:$0x3FB3]  }
0x2d: {  	s3 =	simm.s32 $0x108;
	s8 =	sld [smem:$0x3FB4]  }
0x2e: {  	s3 =	simm.s32 @!p0 $0x1082;
	s9 =	sld [smem:$0x3FB5]  }
0x2f: {  	lr =	sadd.s32 s0, s3;
	s0 =	sld [smem:$0x3FAC]  }
0x30: {  	s3 =	sld [smem:$0x3FAF]  }
0x31: {  	[smem:$0x3FB8] =	sst s10  }
0x32: {  	s10 =	sld [smem:$0x3FB6];
	_ =	sdelay $0x3  }
0x33: {  	p0 =	seq.s32 s10, $0x1;
	s10 =	sld [smem:$0x3FB8];
	_ =	sdelay $0x3  }
0x34: {  	[smem:$0x3FB8] =	sst s10  }
0x35: {  	s10 =	sld [smem:$0x3FB7];
	_ =	sdelay $0x3  }
0x36: {  	p1 =	seq.s32 s10, $0x1;
	s10 =	sld [smem:$0x3FB8];
	_ =	sdelay $0x3  }
0x37: {  	[smem:$0x3FB8] =	sst s10  }
0x38: {  	s10 =	sld [smem:$0x3FB9]  }
0x39: {  	_ = 	snop;
	(pc) =	sbr.ind lr, $3  }
0x3a: {  	_ = 	snop  }
0x3b: {  	_ = 	snop  }
0x3c: {  	p2 =	seq.s32 s10, $0x1;
	s10 =	sld [smem:$0x3FB8]  }
0x3d: {  	_ =	shalt  }
0x3e: {  	_ =	shalt  }
0x3f: {  	_ =	shalt  }
0x40: {  	_ =	shalt  }
0x41: {  	_ =	shalt  }
0x42: {  	_ =	shalt  }
0x43: {  	_ =	shalt  }
0x44: {  	_ =	shalt  }
0x45: {  	_ =	shalt  }
0x46: {  	_ =	shalt  }
0x47: {  	_ =	shalt  }
0x48: {  	_ =	shalt  }
0x49: {  	_ =	shalt  }
0x4a: {  	_ =	shalt  }
0x4b: {  	_ =	shalt  }
0x4c: {  	_ =	shalt  }
0x4d: {  	_ =	shalt  }
0x4e: {  	_ =	shalt  }
0x4f: {  	_ =	shalt  }
0x50: {  	_ =	shalt  }
0x51: {  	_ =	shalt  }
0x52: {  	_ =	shalt  }
0x53: {  	_ =	shalt  }
0x54: {  	_ =	shalt  }
0x55: {  	_ =	shalt  }
0x56: {  	_ =	shalt  }
0x57: {  	_ =	shalt  }
0x58: {  	_ =	shalt  }
0x59: {  	_ =	shalt  }
0x5a: {  	_ =	shalt  }
0x5b: {  	_ =	shalt  }
0x5c: {  	_ =	shalt  }
0x5d: {  	_ =	shalt  }
0x5e: {  	_ =	shalt  }
0x5f: {  	_ =	shalt  }
0x60: {  	_ =	shalt  }
0x61: {  	_ =	shalt  }
0x62: {  	_ =	shalt  }
0x63: {  	_ =	shalt  }
0x64: {  	_ =	shalt  }
0x65: {  	_ =	shalt  }
0x66: {  	_ =	shalt  }
0x67: {  	_ =	shalt  }
0x68: {  	_ =	shalt  }
0x69: {  	_ =	shalt  }
0x6a: {  	_ =	shalt  }
0x6b: {  	_ =	shalt  }
0x6c: {  	_ =	shalt  }
0x6d: {  	_ =	shalt  }
0x6e: {  	_ =	shalt  }
0x6f: {  	_ =	shalt  }
0x70: {  	_ =	shalt  }
0x71: {  	_ =	shalt  }
0x72: {  	_ =	shalt  }
0x73: {  	_ =	shalt  }
0x74: {  	_ =	shalt  }
0x75: {  	_ =	shalt  }
0x76: {  	_ =	shalt  }
0x77: {  	_ =	shalt  }
0x78: {  	_ =	shalt  }
0x79: {  	_ =	shalt  }
0x7a: {  	_ =	shalt  }
0x7b: {  	_ =	shalt  }
0x7c: {  	_ =	shalt  }
0x7d: {  	_ =	shalt  }
0x7e: {  	_ =	shalt  }
0x7f: {  	_ =	shalt  }
0x80: {  	_ =	shalt  }
0x81: {  	_ =	shalt  }
0x82: {  	_ =	shalt  }
0x83: {  	_ =	shalt  }
0x84: {  	_ =	shalt  }
0x85: {  	_ =	shalt  }
0x86: {  	_ =	shalt  }
0x87: {  	_ =	shalt  }
.Lfunc_end0:
.L_simem_size_0:
called_computation.1_lowered:
.L_overlay_start_0:
0x88: {  	s2 =	sld [smem:$0x3FD9]  }
0x89: {  	s3 =	sld [smem:$0x3FFE];
	_ =	sdelay $0x1  }
0x8a: {  	s1 =	srdreg.scid  }
0x8b: {  	s0 =	sand.u32 $0x1, s1  }
0x8c: {  	s17 =	sshll.u32 s0, $0xA;
	s2 =	sadd.s32 s3, s2  }
0x8d: {  	s2 =	sadd.s32 s2, s17  }
0x8e: {  	[smem:$0x3FC4] =	sst s2  }
0x8f: {  	_ = 	snop  }
0x90: {  	s18 =	sld [smem:$0x3FD0];
	(tm) =	ssettm $0x1  }
0x91: {  	s19 =	sld [smem:$0x3FFB];
	_ =	sdelay $0x3  }
0x92: {  	_ =	strace s19  }
0x93: {  	s2 =	sld [smem:$0x3FFC];
	_ =	sdelay $0x3  }
0x94: {  	_ =	strace s2  }
0x95: {  	s2 =	sld [smem:$0x3FFD];
	_ =	sdelay $0x3  }
0x96: {  	_ =	strace s2  }
0x97: {  	_ =	strace $0x8FFFFFFF  }
0x98: {  	s20 =	sld [smem:$0x3FDB];
	_ =	sdelay $0x1  }
0x99: {  	s4 =	simm.s32 $_scs_section_size  }
0x9a: {  	s5 =	simm.s32 $_size__tile_overlayer_lowered;
	s6 =	simm.s32 $_tile_overlayer_lowered  }
0x9b: {  	s7 =	simm.s32 $0x1BFF;
	s21 =	sshll.u32 s6, $0x1;
	s4 =	sadd.s32 s4, s20  }
0x9c: {  	s22 =	simm.s32 $0x0;
	s5 =	sshll.u32 s5, $0x1;
	s6 =	sadd.s32 s21, s4  }
0x9d: {  	[timem:s22], [sflag:s7] =	dma.local [hbm:s6], s5  }
0x9e: {  	_ =	swait.ge [sflag:s7], s5  }
0x9f: {  	s5 =	ssub.s32 $0x0, s5;
	[sflag:s7] =	ssyncset.done $0x0  }
0xa0: {  	[sflag:s7] =	ssyncadd.s32 s5;
	_ =	sdelay $0x1  }
0xa1: {  	s23 =	simm.s32 $0x1B8B  }
0xa2: {  	_ =	swait.ge [sflag:s23], $0x1  }
0xa3: {  	[sflag:s23] =	ssyncset.done $0x0  }
0xa4: {  	[sflag:s23] =	ssyncadd.s32 $0xFFFFFFFF  }
0xa5: {  	s5 =	sld [smem:$0x0]  }
0xa6: {  	s6 =	sand.u32 $0xFFFFFFFE, s1  }
0xa7: {  	p0 =	sne.s32 s1, s6  }
0xa8: {  	s6 =	sshll.u32 @p0 s6, $0xE  }
0xa9: {  	s6 =	sadd.s32 @p0 $0x11B8D, s6;
	s7 =	sshll.u32 @p0 s5, $0x11  }
0xaa: {  	s6 =	sor.u32 @p0 s7, s6  }
0xab: {  	[sflag:s6] =	ssyncadd.remote.s32 @p0 $0x1;
	_ =	sdelay $0x1  }
0xac: {  	s6 =	simm.s32 @p0 $0x1B8D  }
0xad: {  	_ =	swait.eq @p0 [sflag:s6], $0x1  }
0xae: {  	[sflag:s6] =	ssyncadd.s32 @p0 $0xFFFFFFFF  }
0xaf: {  	s7 =	sshll.u32 @!p0 s1, $0xE  }
0xb0: {  	s7 =	sor.u32 @!p0 $0x4000, s7;
	s6 =	simm.s32 @!p0 $0x1B8D  }
0xb1: {  	s8 =	sshll.u32 @!p0 s5, $0x11;
	s7 =	sadd.s32 @!p0 $0x11B8D, s7;
	_ =	swait.eq @!p0 [sflag:s6], $0x1  }
0xb2: {  	[sflag:s6] =	ssyncadd.s32 @!p0 $0xFFFFFFFF;
	s6 =	sor.u32 @!p0 s8, s7  }
0xb3: {  	s25 =	simm.s32 $0x1B8E;
	s24 =	sld [smem:$0x3FFE];
	[sflag:s6] =	ssyncadd.remote.s32 @!p0 $0x1  }
0xb4: {  	s26 =	simm.s32 $execute0_lowered;
	[smem:$0x3FD2] =	sst s25  }
0xb5: {  	s7 =	sshll.u32 s26, $0x1;
	_ =	strace $0x80000049;
	[dreg:$0x1] =	wrdreg $0xFFFFFFFF  }
0xb6: {  	s28 =	simm.s32 $_size_execute0_lowered;
	s4 =	sadd.s32 s4, s7;
	[dreg:$0x0] =	wrdreg $0x0  }
0xb7: {  	s7 =	sshll.u32 s28, $0x1;
	[dreg:$0x2] =	wrdreg s4  }
0xb8: {  	[dreg:$0x3] =	wrdreg s7  }
0xb9: {  	[dreg:$0x4] =	wrdreg $0xC0  }
0xba: {  	_ =	task [dreg:s22], $0x5FFFF  }
0xbb: {  	[dreg:$0x1] =	wrdreg $0xFFFFFFFF  }
0xbc: {  	[dreg:$0x0] =	wrdreg $0x60  }
0xbd: {  	[dreg:$0x2] =	wrdreg s24  }
0xbe: {  	[dreg:$0x3] =	wrdreg s18  }
0xbf: {  	[dreg:$0x4] =	wrdreg s1  }
0xc0: {  	[dreg:$0x5] =	wrdreg s5  }
0xc1: {  	[dreg:$0x6] =	wrdreg $0xA  }
0xc2: {  	_ =	task.clear_ibuf [dreg:s22], $0x7FFFF;
	_ =	strace $0x90000049  }
0xc3: {  	s29 =	simm.s32 $0xA;
	_ =	strace $0x8000004B  }
0xc4: {  	_ =	swait.ge [sflag:s29], $0x1  }
0xc5: {  	[sflag:s29] =	ssyncadd.s32 $0xFFFFFFFF  }
0xc6: {  	_ =	strace $0x9000004B  }
0xc7: {  	_ =	sfence  }
0xc8: {  	s30 =	sld [smem:$0x0];
	_ =	sdelay $0x2  }
0xc9: {  	s31 =	sshll.u32 s1, $0xD;
	s1 =	sshrl.u32 s1, $0x2  }
0xca: {  	s4 =	sand.u32 $0x4000, s31;
	s1 =	sadd.s32 s1, s30  }
0xcb: {  	s0 =	sor.u32 s4, s0;
	s1 =	sshll.u32 s1, $0x11  }
0xcc: {  	s0 =	sor.u32 s1, s0  }
0xcd: {  	s0 =	sadd.s32 $0x8F2B, s0  }
0xce: {  	[sflag:s0] =	ssyncadd.remote.s32 $0x1  }
0xcf: {  	_ =	sfence.sel $0xFFFF  }
0xd0: {  	[dreg:$0x0] =	wrdreg $0xFFFFFFFF;
	(pc) =	sbr.abs _section_cstart, $3  }
0xd1: {  	[dreg:$0x1] =	wrdreg $0xFFFFFFFF  }
0xd2: {  	_ =	task.clear_ibuf [dreg:s22], $0x2FFFF;
	_ =	strace $0x9FFFFFFF  }
0xd3: {  	(tm) =	ssettm $0x7FFFFFFF  }
tec
execute0_lowered:
.L_overlay_start_1:
0x0: {  	(tag) =	ssettag $0x1  }
0x1: {  	s2 =	rddreg [dreg:$0x0]  }
0x2: {  	s0 =	rddreg [dreg:$0x1]  }
0x3: {  	s4 =	rddreg [dreg:$0x2];
	_ =	strace $0x8000004A;
	s1 =	simm.s32 $0x1  }
0x4: {  	s3 =	simm.s32 $0x88;
	v0 =	vimm.s32 $0x0;
	[sflag:s1] =	ssyncpa.u1 $0x0  }
0x5: {  	[tilespmem:s3+$0x30] =	vst v0  }
0x6: {  	s1 =	sadd.s32 $0xDD400, s2;
	[tilespmem:s3+$0x20] =	vst v0  }
0x7: {  	s6 =	sadd.s32 $0x94D400, s2;
	s5 =	sand.u32 $0x1, s4;
	s4 =	simm.s32 $0x40;
	[tilespmem:s3+$0x10] =	vst v0  }
.LBB2_1:
0x8: {  	s4 =	sadd.s32 $0x40, s4  }
0x9: {  	[tilespmem:s3+$0x0] =	vst v0;
	s3 =	sadd.s32 $0x40, s3;
	p0 =	slt.u32 s4, $0x5040  }
.Ltmp0:
0xa: {  	(pc) =	sbr.rel @p0 .LBB2_1-.Ltmp0, $4  }
0xb: {  	_ = 	snop  }
0xc: {  	[tilespmem:s3+$0x30] =	vst v0  }
0xd: {  	[tilespmem:s3+$0x20] =	vst v0  }
0xe: {  	[tilespmem:s3+$0x10] =	vst v0  }
0xf: {  	s28 =	simm.s32 $0x2  }
0x10: {  	s4 =	stileid.u32;
	s29 =	simm.s32 $0x9;
	s30 =	simm.s32 $0xA  }
0x11: {  	s7 =	simm.s32 $0xB;
	[dreg:$0x5] =	wrdreg s5;
	s31 =	smul.u32 $0x3200, s5  }
0x12: {  	s16 =	simm.s32 $0x0;
	p0 =	por $0x1, $0x1;
	s17 =	simm.s32 $0xFF  }
0x13: {  	p1 =	por $0x0, $0x0;
	s18 =	simm.s32 $0x1;
	s12 =	simm.s32 $0xC  }
0x14: {  	s23 =	simm.s32 $0x0;
	s21 =	simm.s32 $0x0;
	s9 =	smul.u32 $0x1900, s4  }
.Ltmp1:
0x15: {  	s20 =	simm.s32 $0x0;
	s0 =	sadd.s32 s31, s0;
	(pc) =	sbr.rel .LBB2_3-.Ltmp1, $4  }
0x16: {  	[tilespmem:s3+$0x0] =	vst v0;
	v0 =	vimm.s32 $0xFFFFFFFF;
	[sflag:s28] =	ssyncpa.u1 $0x0;
	s15 =	sshll.u32 s4, $0x7;
	[dreg:$0x9] =	wrdreg s0  }
0x17: {  	[tilespmem:$0xA108] =	vst v0;
	[sflag:s29] =	ssyncpa.u1 $0x0;
	s11 =	sadd.s32 s31, s2;
	[dreg:$0x6] =	wrdreg s9  }
0x18: {  	[sflag:s30] =	ssyncpa.u1 $0x0;
	s10 =	sadd.s32 $0x1900, s9;
	[dreg:$0x8] =	wrdreg s11  }
0x19: {  	v0 =	vlaneseq.u32;
	s22 =	smov.u32 s9;
	[sflag:s7] =	ssyncpa.u1 $0x0;
	[dreg:$0x7] =	wrdreg s10  }
.LBB2_22:
0x1a: {  	s0 =	sshrl.u32 s0, $0x2  }
.LBB2_24:
0x1b: {  	_ =	swait.ge [sflag:s12], s0  }
0x1c: {  	s30 =	ssub.s32 $0x0, s0;
	v1 =	vmov s26;
	vm0 =	veq.s32 v0, $0x0;
	[sflag:s12] =	ssyncset.done $0x0  }
0x1d: {  	vm15 =	veq.s32 v0, $0x2;
	v1 =	vsel vm0, s31, v1;
	[sflag:s12] =	ssyncadd.s32 s30  }
0x1e: {  	v1 =	vsel vm15, s23, v1;
	[sflag:s12] =	ssyncpa.u1 $0x1  }
0x1f: {  	[tilespmem:$0xA108] =	vst v1  }
.LBB2_25:
0x20: {  	s0 =	sadd.s32 $0x140, s22  }
0x21: {  	s2 =	smov.u32 s9;
	s20 =	sadd.s32 $0x1, s20;
	p2 =	slt.s32 s0, s10  }
0x22: {  	s2 =	smov.u32 @p2 s0;
	p2 =	sne.s32 s20, $0x16  }
.Ltmp2:
0x23: {  	_ = 	snop;
	(pc) =	sbr.rel @!p2 .LBB2_26-.Ltmp2, $3  }
0x24: {  	_ =	sdelay $0x1  }
0x25: {  	s23 =	smov.u32 s21;
	s21 =	smov.u32 s22;
	p0 =	por !p0, !p0  }
0x26: {  	s17 =	sadd.s32 $0x1, s17;
	p1 =	por !p1, !p1;
	s22 =	smov.u32 s2  }
.LBB2_3:
0x27: {  	p2 =	sgt.u32 s20, $0x13  }
0x28: {  	s0 =	smul.u32 @!p2 $0xAB, s20;
	_ =	sdelay $0x1  }
0x29: {  	s0 =	sshrl.u32 @!p2 s0, $0x9  }
0x2a: {  	s2 =	smov.u32 s22;
	p3 =	sgt.s32 @!p2 s22, $0x18EC0;
	s0 =	sand.u32 @!p2 $0x7F, s0  }
0x2b: {  	s3 =	sshra.s32 @!p2 s22, $0x1F;
	p3 =	por !p3, p2;
	s0 =	smul.u32 @!p2 $0x3, s0  }
0x2c: {  	s3 =	sand.u32 @!p2 s3, s22;
	s2 =	simm.s32 @p3 $0x18EC0  }
0x2d: {  	s2 =	ssub.s32 @!p2 s2, s3;
	s0 =	ssub.s32 @!p2 s20, s0  }
0x2e: {  	s2 =	sadd.s32 @!p2 $0xFFFE7140, s2;
	s0 =	sand.u32 @!p2 $0xFF, s0  }
0x2f: {  	s3 =	sshll.u32 @!p2 s2, $0x2;
	p3 =	sgt.s32 @!p2 s2, $0x13F;
	s0 =	smul.u32 @!p2 $0x500, s0  }
0x30: {  	s4 =	sand.u32 @!p2 $0x7, s22;
	s2 =	ssub.s32 @!p2 $0x500, s3;
	p3 =	por !p3, p2  }
0x31: {  	s3 =	sshrl.u32 @!p2 s22, $0x3;
	s2 =	sshrl.u32 @!p2 s2, $0x2;
	s0 =	sshrl.u32 @!p2 s0, $0x2  }
0x32: {  	s3 =	sadd.s32 @!p2 s3, s11;
	s2 =	simm.s32 @!p3 $0x0;
	s0 =	sadd.s32 @!p2 $0xA948, s0  }
0x33: {  	[tilespmem:s0], [sflag:$0xA] =	stream.linear.gather @!p2 [hbm4b:s3+s4], s2, $0x38;
	[tilespmem:$0x1EF88] =	vst v63  }
0x34: {  	s0 =	sadd.s32 $0xFFFFFFFF, s20  }
0x35: {  	p2 =	sgt.u32 s0, $0x13  }
.Ltmp3:
0x36: {  	_ = 	snop;
	(pc) =	sbr.rel @p2 .LBB2_7-.Ltmp3, $1  }
0x37: {  	_ =	sdelay $0x3  }
0x38: {  	p2 =	sgt.s32 s21, $0x18EC0;
	s2 =	smov.u32 s21;
	s3 =	sshra.s32 s21, $0x1F  }
0x39: {  	s4 =	sand.u32 $0xFF, s17;
	s2 =	simm.s32 @!p2 $0x18EC0;
	s3 =	sand.u32 s3, s21  }
0x3a: {  	s31 =	smulhi.u32 $0x55555556, s4;
	s2 =	ssub.s32 s2, s3  }
0x3b: {  	s0 =	sand.u32 $0x1, s0;
	s4 =	smul.u32 $0x500, s4;
	s2 =	sadd.s32 $0xFFFE7140, s2  }
0x3c: {  	s7 =	simm.s32 $0xA;
	s0 =	smul.u32 $0x500, s0;
	s5 =	sshll.u32 s2, $0x2  }
0x3d: {  	s9 =	sshrl.u32 s21, $0x3;
	s3 =	smul.u32 $0xF00, s31;
	s5 =	ssub.s32 $0x500, s5  }
0x3e: {  	s11 =	sand.u32 $0x7, s21;
	p2 =	sgt.s32 s2, $0x13F;
	s2 =	sshrl.u32 s5, $0x2  }
0x3f: {  	s0 =	sshrl.u32 s0, $0x2;
	s3 =	ssub.s32 s4, s3;
	s2 =	simm.s32 @p2 $0x0  }
0x40: {  	s0 =	sadd.s32 $0xAD08, s0;
	s3 =	sshra.s32 s3, $0x2;
	_ =	swait.ge [sflag:s7], s2  }
0x41: {  	s8 =	ssub.s32 $0x0, s2;
	[sflag:s7] =	ssyncset.done $0x0;
	s10 =	rddreg [dreg:$0x9]  }
0x42: {  	s28 =	sadd.s32 $0xA948, s3;
	[sflag:s7] =	ssyncadd.s32 s8;
	s3 =	sadd.s32 s9, s10  }
0x43: {  	[tilespmem:s0], [sflag:$0xB] =	stream.linear.gather [hbm4b:s3+s11], s2, $0x38;
	[tilespmem:$0x1EF88] =	vst v63  }
0x44: {  	v1 =	vld.msk [tilespmem:s28+$0x0], $0xffff;
	_ =	sdelay $0x4  }
0x45: {  	v1 =	vshll.u32 v1, $0x4  }
0x46: {  	(v2sf) =	vpush v1, $0x0  }
0x47: {  	(v2sf) =	vpush v1, $0x1  }
0x48: {  	(v2sf) =	vpush v1, $0x2;
	_ =	sdelay $0x1  }
0x49: {  	(v2sf) =	vpush v1, $0x3;
	_ =	sdelay $0x1  }
0x4a: {  	s0 =	simm.s32 $0x1;
	(v2sf) =	vpush v1, $0x4  }
0x4b: {  	s0 =	simm.s32 @!p0 $0x0  }
0x4c: {  	s0 =	smul.u32 $0x28000, s0;
	(v2sf) =	vpush v1, $0x5;
	_ =	sdelay $0x1  }
0x4d: {  	s0 =	sshrl.u32 s0, $0x2;
	(v2sf) =	vpush v1, $0x6  }
0x4e: {  	s24 =	sadd.s32 $0xB708, s0  }
0x4f: {  	s28 =	sadd.s32 $0x10, s28;
	s0 =	sadd.s32 $0xFFFFFE80, s24;
	s2 =	sadd.s32 $0xFFFFFD00, s24;
	(v2sf) =	vpush v1, $0x7  }
0x50: {  	s4 =	sadd.s32 $0xFFFFFD80, s24;
	s3 =	sadd.s32 $0xFFFFFE00, s24;
	s5 =	sadd.s32 $0xFFFFFB80, s24  }
0x51: {  	s26 =	sadd.s32 $0xFFFFFA00, s24;
	s29 =	sadd.s32 $0xFFFFFA80, s24;
	s30 =	sadd.s32 $0xFFFFFB00, s24;
	(v2sf) =	vpush v1, $0x8  }
0x52: {  	s31 =	sadd.s32 $0xFFFFF900, s24;
	s7 =	sadd.s32 $0xFFFFF980, s24;
	s8 =	spop (v2sf)  }
0x53: {  	s10 =	sadd.s32 $0xFFFFF880, s24;
	(v2sf) =	vpush v1, $0x9;
	s8 =	sand.u32 $0x1FFFFFF0, s8;
	s11 =	spop (v2sf)  }
0x54: {  	s8 =	sadd.s32 s6, s8;
	s11 =	sand.u32 $0x1FFFFFF0, s11;
	s13 =	spop (v2sf)  }
0x55: {  	[tilespmem:s10], [sflag:$0x9] =	stream.linear.gather [hbm4b:s8+s16], $0x40, $0x38;
	[tilespmem:$0x1EF88] =	vst v63  }
0x56: {  	(v2sf) =	vpush v1, $0xA;
	s12 =	sadd.s32 s6, s11;
	s19 =	sand.u32 $0x1FFFFFF0, s13;
	s9 =	spop (v2sf)  }
0x57: {  	(v2sf) =	vpush v1, $0xB;
	[tilespmem:s31], [sflag:$0x9] =	stream.linear.gather [hbm4b:s12+s16], $0x40, $0x38;
	[tilespmem:$0x1EF88] =	vst v63  }
0x58: {  	s10 =	sadd.s32 s6, s19;
	s13 =	spop (v2sf);
	s12 =	sand.u32 $0x1FFFFFF0, s9  }
0x59: {  	(v2sf) =	vpush v1, $0xC;
	[tilespmem:s7], [sflag:$0x9] =	stream.linear.gather [hbm4b:s10+s16], $0x40, $0x38;
	[tilespmem:$0x1EF88] =	vst v63  }
0x5a: {  	s31 =	sand.u32 $0x1FFFFFF0, s13;
	s9 =	spop (v2sf);
	s19 =	sadd.s32 s6, s12  }
0x5b: {  	(v2sf) =	vpush v1, $0xD;
	[tilespmem:s26], [sflag:$0x9] =	stream.linear.gather [hbm4b:s19+s16], $0x40, $0x38;
	[tilespmem:$0x1EF88] =	vst v63  }
0x5c: {  	s11 =	sadd.s32 s6, s31;
	s12 =	sand.u32 $0x1FFFFFF0, s9;
	s13 =	spop (v2sf)  }
0x5d: {  	(v2sf) =	vpush v1, $0xE;
	[tilespmem:s29], [sflag:$0x9] =	stream.linear.gather [hbm4b:s11+s16], $0x40, $0x38;
	[tilespmem:$0x1EF88] =	vst v63  }
0x5e: {  	s19 =	sadd.s32 s6, s12;
	s26 =	sand.u32 $0x1FFFFFF0, s13;
	s29 =	spop (v2sf)  }
0x5f: {  	(v2sf) =	vpush v1, $0xF;
	[tilespmem:s30], [sflag:$0x9] =	stream.linear.gather [hbm4b:s19+s16], $0x40, $0x38;
	[tilespmem:$0x1EF88] =	vst v63  }
0x60: {  	s14 =	sadd.s32 $0xFFFFFC00, s24;
	s9 =	spop (v2sf);
	s30 =	sadd.s32 s6, s26  }
0x61: {  	[tilespmem:s5], [sflag:$0x9] =	stream.linear.gather [hbm4b:s30+s16], $0x40, $0x38;
	[tilespmem:$0x1EF88] =	vst v63  }
0x62: {  	s25 =	sadd.s32 $0xFFFFFC80, s24;
	s31 =	sand.u32 $0x1FFFFFF0, s29;
	s13 =	spop (v2sf)  }
0x63: {  	s11 =	sadd.s32 s6, s31;
	s12 =	sand.u32 $0x1FFFFFF0, s9;
	s19 =	sand.u32 $0x1FFFFFF0, s13  }
0x64: {  	[tilespmem:s14], [sflag:$0x9] =	stream.linear.gather [hbm4b:s11+s16], $0x40, $0x38;
	[tilespmem:$0x1EF88] =	vst v63  }
0x65: {  	s26 =	spop (v2sf);
	s14 =	sadd.s32 s6, s12;
	s29 =	sadd.s32 s6, s19  }
0x66: {  	s30 =	sand.u32 $0x1FFFFFF0, s26;
	s31 =	spop (v2sf);
	s19 =	sadd.s32 $0xFFFFFF00, s24  }
0x67: {  	[tilespmem:s25], [sflag:$0x9] =	stream.linear.gather [hbm4b:s14+s16], $0x40, $0x38;
	[tilespmem:$0x1EF88] =	vst v63  }
0x68: {  	s5 =	sadd.s32 s6, s30;
	s7 =	sand.u32 $0x1FFFFFF0, s31;
	s8 =	spop (v2sf)  }
0x69: {  	[tilespmem:s2], [sflag:$0x9] =	stream.linear.gather [hbm4b:s29+s16], $0x40, $0x38;
	[tilespmem:$0x1EF88] =	vst v63  }
0x6a: {  	s31 =	sadd.s32 $0xFFFFFF80, s24;
	s10 =	sand.u32 $0x1FFFFFF0, s8;
	s11 =	spop (v2sf)  }
0x6b: {  	[tilespmem:s4], [sflag:$0x9] =	stream.linear.gather [hbm4b:s5+s16], $0x40, $0x38;
	[tilespmem:$0x1EF88] =	vst v63  }
0x6c: {  	s9 =	sadd.s32 s6, s7;
	s12 =	sadd.s32 s6, s10;
	s14 =	spop (v2sf)  }
0x6d: {  	[tilespmem:s3], [sflag:$0x9] =	stream.linear.gather [hbm4b:s9+s16], $0x40, $0x38;
	[tilespmem:$0x1EF88] =	vst v63  }
0x6e: {  	s13 =	sand.u32 $0x1FFFFFF0, s11;
	s26 =	sand.u32 $0x1FFFFFF0, s14;
	s29 =	spop (v2sf)  }
0x6f: {  	[tilespmem:s0], [sflag:$0x9] =	stream.linear.gather [hbm4b:s12+s16], $0x40, $0x38;
	[tilespmem:$0x1EF88] =	vst v63  }
0x70: {  	s25 =	sadd.s32 s6, s13;
	s30 =	sadd.s32 s6, s26;
	s0 =	sand.u32 $0x1FFFFFF0, s29  }
0x71: {  	[tilespmem:s19], [sflag:$0x9] =	stream.linear.gather [hbm4b:s25+s16], $0x40, $0x38;
	[tilespmem:$0x1EF88] =	vst v63  }
0x72: {  	s26 =	sadd.s32 $0x800, s24;
	s0 =	sadd.s32 s6, s0;
	s25 =	simm.s32 $0x0  }
0x73: {  	[tilespmem:s31], [sflag:$0x9] =	stream.linear.gather [hbm4b:s30+s16], $0x40, $0x38;
	[tilespmem:$0x1EF88] =	vst v63  }
.LBB2_5:
0x74: {  	[tilespmem:s24], [sflag:$0x9] =	stream.linear.gather [hbm4b:s0+s16], $0x40, $0x38;
	[tilespmem:$0x1EF88] =	vst v63  }
0x75: {  	s25 =	sadd.s32 $0x10, s25;
	s24 =	smov.u32 s26  }
0x76: {  	p2 =	slt.u32 s25, $0x130;
	v1 =	vld.msk [tilespmem:s28+$0x0], $0xffff;
	_ =	sdelay $0x4  }
0x77: {  	v1 =	vshll.u32 v1, $0x4  }
0x78: {  	(v2sf) =	vpush v1, $0x0  }
0x79: {  	(v2sf) =	vpush v1, $0x1  }
0x7a: {  	(v2sf) =	vpush v1, $0x2;
	_ =	sdelay $0x1  }
0x7b: {  	(v2sf) =	vpush v1, $0x3;
	_ =	sdelay $0x1  }
0x7c: {  	(v2sf) =	vpush v1, $0x4;
	_ =	sdelay $0x1  }
0x7d: {  	(v2sf) =	vpush v1, $0x5;
	_ =	sdelay $0x1  }
0x7e: {  	(v2sf) =	vpush v1, $0x6  }
0x7f: {  	s30 =	sadd.s32 $0xFFFFFE80, s26;
	s29 =	sadd.s32 $0xFFFFFF00, s26  }
0x80: {  	s4 =	sadd.s32 $0xFFFFFD00, s26;
	s0 =	sadd.s32 $0xFFFFFD80, s26;
	s31 =	sadd.s32 $0xFFFFFE00, s26;
	(v2sf) =	vpush v1, $0x7  }
0x81: {  	s2 =	sadd.s32 $0xFFFFFB80, s26;
	s3 =	sadd.s32 $0xFFFFFC00, s26;
	s5 =	sadd.s32 $0xFFFFFC80, s26  }
0x82: {  	s7 =	sadd.s32 $0xFFFFFA00, s26;
	s8 =	sadd.s32 $0xFFFFFA80, s26;
	s10 =	sadd.s32 $0xFFFFFB00, s26;
	(v2sf) =	vpush v1, $0x8  }
0x83: {  	s11 =	sadd.s32 $0xFFFFF900, s26;
	s13 =	sadd.s32 $0xFFFFF980, s26;
	s14 =	spop (v2sf)  }
0x84: {  	s9 =	sadd.s32 $0xFFFFF880, s26;
	s14 =	sand.u32 $0x1FFFFFF0, s14;
	s19 =	spop (v2sf);
	(v2sf) =	vpush v1, $0x9  }
0x85: {  	s14 =	sadd.s32 s6, s14;
	s19 =	sand.u32 $0x1FFFFFF0, s19;
	s12 =	spop (v2sf)  }
0x86: {  	[tilespmem:s9], [sflag:$0x9] =	stream.linear.gather [hbm4b:s14+s16], $0x40, $0x38;
	(v2sf) =	vpush v1, $0xA;
	[tilespmem:$0x1EF88] =	vst v63  }
0x87: {  	s9 =	sadd.s32 s6, s19;
	s12 =	sand.u32 $0x1FFFFFF0, s12;
	s14 =	spop (v2sf)  }
0x88: {  	[tilespmem:s11], [sflag:$0x9] =	stream.linear.gather [hbm4b:s9+s16], $0x40, $0x38;
	(v2sf) =	vpush v1, $0xB;
	[tilespmem:$0x1EF88] =	vst v63  }
0x89: {  	s9 =	sadd.s32 s6, s12;
	s11 =	sand.u32 $0x1FFFFFF0, s14;
	s12 =	spop (v2sf)  }
0x8a: {  	[tilespmem:s13], [sflag:$0x9] =	stream.linear.gather [hbm4b:s9+s16], $0x40, $0x38;
	(v2sf) =	vpush v1, $0xC;
	[tilespmem:$0x1EF88] =	vst v63  }
0x8b: {  	s9 =	sadd.s32 s6, s11;
	s11 =	sand.u32 $0x1FFFFFF0, s12;
	s12 =	spop (v2sf)  }
0x8c: {  	[tilespmem:s7], [sflag:$0x9] =	stream.linear.gather [hbm4b:s9+s16], $0x40, $0x38;
	(v2sf) =	vpush v1, $0xD;
	[tilespmem:$0x1EF88] =	vst v63  }
0x8d: {  	s7 =	sadd.s32 s6, s11;
	s9 =	sand.u32 $0x1FFFFFF0, s12;
	s11 =	spop (v2sf)  }
0x8e: {  	[tilespmem:s8], [sflag:$0x9] =	stream.linear.gather [hbm4b:s7+s16], $0x40, $0x38;
	(v2sf) =	vpush v1, $0xE;
	[tilespmem:$0x1EF88] =	vst v63  }
0x8f: {  	s7 =	sadd.s32 s6, s9;
	s8 =	sand.u32 $0x1FFFFFF0, s11;
	s9 =	spop (v2sf)  }
0x90: {  	[tilespmem:s10], [sflag:$0x9] =	stream.linear.gather [hbm4b:s7+s16], $0x40, $0x38;
	(v2sf) =	vpush v1, $0xF;
	[tilespmem:$0x1EF88] =	vst v63  }
0x91: {  	s7 =	sadd.s32 s6, s8;
	s8 =	sand.u32 $0x1FFFFFF0, s9;
	s9 =	spop (v2sf)  }
0x92: {  	[tilespmem:s2], [sflag:$0x9] =	stream.linear.gather [hbm4b:s7+s16], $0x40, $0x38;
	[tilespmem:$0x1EF88] =	vst v63  }
0x93: {  	s2 =	sadd.s32 s6, s8;
	s7 =	sand.u32 $0x1FFFFFF0, s9;
	s8 =	spop (v2sf)  }
0x94: {  	[tilespmem:s3], [sflag:$0x9] =	stream.linear.gather [hbm4b:s2+s16], $0x40, $0x38;
	[tilespmem:$0x1EF88] =	vst v63  }
0x95: {  	s2 =	sadd.s32 s6, s7;
	s3 =	sand.u32 $0x1FFFFFF0, s8;
	s7 =	spop (v2sf)  }
0x96: {  	[tilespmem:s5], [sflag:$0x9] =	stream.linear.gather [hbm4b:s2+s16], $0x40, $0x38;
	[tilespmem:$0x1EF88] =	vst v63  }
0x97: {  	s2 =	sadd.s32 s6, s3;
	s3 =	sand.u32 $0x1FFFFFF0, s7;
	s5 =	spop (v2sf)  }
0x98: {  	[tilespmem:s4], [sflag:$0x9] =	stream.linear.gather [hbm4b:s2+s16], $0x40, $0x38;
	[tilespmem:$0x1EF88] =	vst v63  }
0x99: {  	s2 =	sadd.s32 s6, s3;
	s3 =	sand.u32 $0x1FFFFFF0, s5;
	s4 =	spop (v2sf)  }
0x9a: {  	[tilespmem:s0], [sflag:$0x9] =	stream.linear.gather [hbm4b:s2+s16], $0x40, $0x38;
	[tilespmem:$0x1EF88] =	vst v63  }
0x9b: {  	s0 =	sadd.s32 s6, s3;
	s2 =	sand.u32 $0x1FFFFFF0, s4;
	s3 =	spop (v2sf)  }
0x9c: {  	[tilespmem:s31], [sflag:$0x9] =	stream.linear.gather [hbm4b:s0+s16], $0x40, $0x38;
	[tilespmem:$0x1EF88] =	vst v63  }
0x9d: {  	s0 =	sadd.s32 s6, s2;
	s2 =	sand.u32 $0x1FFFFFF0, s3;
	s3 =	spop (v2sf)  }
0x9e: {  	[tilespmem:s30], [sflag:$0x9] =	stream.linear.gather [hbm4b:s0+s16], $0x40, $0x38;
	[tilespmem:$0x1EF88] =	vst v63  }
0x9f: {  	s0 =	sadd.s32 s6, s2  }
.Ltmp4:
0xa0: {  	s2 =	sand.u32 $0x1FFFFFF0, s3;
	s3 =	spop (v2sf);
	(pc) =	sbr.rel @p2 .LBB2_5-.Ltmp4, $4  }
0xa1: {  	[tilespmem:s29], [sflag:$0x9] =	stream.linear.gather [hbm4b:s0+s16], $0x40, $0x38;
	[tilespmem:$0x1EF88] =	vst v63  }
0xa2: {  	s0 =	sadd.s32 s6, s2;
	s2 =	sadd.s32 $0xFFFFFF80, s26;
	s3 =	sand.u32 $0x1FFFFFF0, s3  }
0xa3: {  	[tilespmem:s2], [sflag:$0x9] =	stream.linear.gather [hbm4b:s0+s16], $0x40, $0x38;
	[tilespmem:$0x1EF88] =	vst v63  }
0xa4: {  	s28 =	sadd.s32 $0x10, s28;
	s26 =	sadd.s32 $0x800, s26;
	s0 =	sadd.s32 s6, s3  }
0xa5: {  	[tilespmem:s24], [sflag:$0x9] =	stream.linear.gather [hbm4b:s0+s16], $0x40, $0x38;
	[tilespmem:$0x1EF88] =	vst v63  }
0xa6: {  	s9 =	rddreg [dreg:$0x6]  }
0xa7: {  	s10 =	rddreg [dreg:$0x7]  }
0xa8: {  	s11 =	rddreg [dreg:$0x8];
	s12 =	simm.s32 $0xC  }
.LBB2_7:
0xa9: {  	p2 =	slt.u32 s20, $0x2  }
.Ltmp5:
0xaa: {  	_ = 	snop;
	(pc) =	sbr.rel @p2 .LBB2_25-.Ltmp5, $1  }
0xab: {  	_ =	sdelay $0x3  }
0xac: {  	p2 =	sgt.s32 s23, $0x18EC0;
	s0 =	smov.u32 s23;
	s2 =	sshra.s32 s23, $0x1F  }
0xad: {  	s0 =	simm.s32 @!p2 $0x18EC0;
	s2 =	sand.u32 s2, s23  }
0xae: {  	s0 =	ssub.s32 s0, s2  }
0xaf: {  	s0 =	sadd.s32 $0xFFFE7140, s0  }
0xb0: {  	s3 =	simm.s32 $0x9;
	s29 =	sshll.u32 s0, $0x2  }
0xb1: {  	_ =	swait.ge [sflag:s3], $0x5000;
	s2 =	ssub.s32 $0x500, s29  }
0xb2: {  	[sflag:s3] =	ssyncset.done $0x0;
	p2 =	sgt.s32 s0, $0x13F;
	s0 =	sshrl.u32 s2, $0x2  }
0xb3: {  	s30 =	simm.s32 $0xB;
	[sflag:s3] =	ssyncadd.s32 $0xFFFFB000;
	s0 =	simm.s32 @p2 $0x0  }
0xb4: {  	_ =	swait.ge [sflag:s30], s0  }
0xb5: {  	s0 =	ssub.s32 $0x0, s0;
	[sflag:s30] =	ssyncset.done $0x0  }
0xb6: {  	[sflag:s30] =	ssyncadd.s32 s0  }
0xb7: {  	v1 =	vld [tilespmem:$0xA108];
	_ =	sdelay $0x4  }
0xb8: {  	(v2sf) =	vpush v1, $0x0  }
0xb9: {  	(v2sf) =	vpush v1, $0x1  }
0xba: {  	(v2sf) =	vpush v1, $0x2;
	_ =	sdelay $0x3  }
0xbb: {  	s2 =	sadd.s32 $0x140, s23  }
0xbc: {  	s4 =	ssub.s32 $0x32000, s23;
	p2 =	slt.s32 s10, s2  }
0xbd: {  	s2 =	smov.u32 @p2 s10;
	p2 =	sgt.s32 s4, $0x0  }
0xbe: {  	s24 =	ssub.s32 s2, s23;
	s4 =	simm.s32 @!p2 $0x0  }
0xbf: {  	p2 =	slt.s32 s4, s24  }
0xc0: {  	s24 =	smov.u32 @p2 s4  }
0xc1: {  	s0 =	simm.s32 $0x1;
	p2 =	slt.s32 s24, $0x1  }
.Ltmp6:
0xc2: {  	s0 =	simm.s32 @!p1 $0x0;
	(pc) =	sbr.rel @p2 .LBB2_12-.Ltmp6, $4  }
0xc3: {  	s5 =	smul.u32 $0x500, s0  }
0xc4: {  	s3 =	spop (v2sf)  }
0xc5: {  	s31 =	sshrl.u32 s5, $0x2;
	s2 =	spop (v2sf)  }
0xc6: {  	s25 =	sadd.s32 $0xAD08, s31;
	s23 =	spop (v2sf)  }
0xc7: {  	s4 =	smin.u32 s24, $0x10  }
0xc8: {  	v1 =	vmov s4  }
0xc9: {  	p3 =	sgt.s32 s24, $0x10;
	vm1 =	vgt.u32 v1, v0  }
.Ltmp7:
0xca: {  	_ = 	snop;
	(pc) =	sbr.rel @!p3 .LBB2_11-.Ltmp7, $2  }
0xcb: {  	_ =	sdelay $0x2  }
0xcc: {  	s5 =	simm.s32 $0x10;
	s26 =	sadd.s32 $0xFFFFFFF0, s24;
	s4 =	smov.u32 s25;
	vm0 =	vmmov vm1  }
.LBB2_10:
0xcd: {  	s7 =	smin.u32 s26, $0x10;
	s5 =	sadd.s32 $0x10, s5;
	v1 =	vld.msk [tilespmem:s4+$0x0 ss:$0x1], vm1  }
0xce: {  	v2 =	vmov s7;
	p3 =	slt.s32 s5, s24  }
0xcf: {  	vm1 =	vgt.u32 v2, v0  }
.Ltmp8:
0xd0: {  	(pc) =	sbr.rel @p3 .LBB2_10-.Ltmp8, $3  }
0xd1: {  	_ =	sdelay $0x1  }
0xd2: {  	v1 =	vshll.u32 v1, $0x4  }
0xd3: {  	s26 =	sadd.s32 $0xFFFFFFF0, s26;
	[tilespmem:s4+$0x0] =	vst.msk vm0, v1;
	s4 =	sadd.s32 $0x10, s4;
	vm0 =	vmmov vm1  }
.LBB2_11:
0xd4: {  	_ =	sdelay $0x4  }
0xd5: {  	v1 =	vld.msk [tilespmem:s4+$0x0 ss:$0x1], vm1;
	_ =	sdelay $0x4  }
0xd6: {  	v1 =	vshll.u32 v1, $0x4  }
0xd7: {  	[tilespmem:s4+$0x0] =	vst.msk vm0, v1  }
.LBB2_12:
0xd8: {  	s4 =	sand.u32 $0x1, s20  }
0xd9: {  	s5 =	smul.u32 $0xA000, s4  }
0xda: {  	p3 =	sne.s32 s2, $0xFFFFFFFF;
	s4 =	smul.u32 $0x140, s4  }
0xdb: {  	v1 =	vld @!p3 [tilespmem:s5+$0xAF88]  }
0xdc: {  	v2 =	vld.msk @!p3 [tilespmem:s4+$0xAD08], $0x1;
	_ =	sdelay $0x3  }
0xdd: {  	[tilespmem:$0x88] =	vst @!p3 v1  }
0xde: {  	(v2sf) =	vpush @!p3 v2, $0x0;
	v1 =	vld @!p3 [tilespmem:s5+$0xAF98];
	_ =	sdelay $0x4  }
0xdf: {  	[tilespmem:$0x98] =	vst @!p3 v1  }
0xe0: {  	v1 =	vld @!p3 [tilespmem:s5+$0xAFA8];
	_ =	sdelay $0x4  }
0xe1: {  	[tilespmem:$0xA8] =	vst @!p3 v1  }
0xe2: {  	v1 =	vld @!p3 [tilespmem:s5+$0xAFB8]  }
.Ltmp9:
0xe3: {  	_ = 	snop;
	(pc) =	sbr.rel @p2 .LBB2_23-.Ltmp9, $4  }
0xe4: {  	_ = 	snop  }
0xe5: {  	s30 =	spop @!p3 (v2sf)  }
0xe6: {  	s23 =	simm.s32 @!p3 $0x0;
	s26 =	smov.u32 s30  }
0xe7: {  	s30 =	smov.u32 @p3 s3;
	s26 =	smov.u32 @p3 s2;
	[tilespmem:$0xB8] =	vst @!p3 v1;
	[sflag:s12] =	ssyncpa.u1 $0x0  }
0xe8: {  	v1 =	vld.msk [tilespmem:s25+$0x0], $0x1;
	_ =	sdelay $0x4  }
0xe9: {  	(v2sf) =	vpush v1, $0x0;
	_ =	sdelay $0xe  }
0xea: {  	s0 =	smul.u32 $0x28000, s0;
	s3 =	spop (v2sf)  }
0xeb: {  	p2 =	seq.s32 s30, s3  }
0xec: {  	s2 =	smov.u32 s30;
	s0 =	sshrl.u32 s0, $0x2;
	p3 =	sgt.s32 @!p2 s30, $0x0  }
0xed: {  	s28 =	sadd.s32 $0xAFA8, s0;
	s0 =	sadd.s32 $0xFFFFFFFF, s24;
	p3 =	por !p3, p2  }
0xee: {  	s2 =	simm.s32 @p3 $0x0;
	p3 =	sne.s32 s0, $0x0  }
.Ltmp10:
0xef: {  	_ = 	snop;
	(pc) =	sbr.rel @!p3 .LBB2_15-.Ltmp10, $4  }
0xf0: {  	_ = 	snop  }
0xf1: {  	s29 =	simm.s32 $0x0;
	s4 =	simm.s32 @!p2 $0x1;
	s2 =	smin.u32 @!p2 s2, $0xD6FF8  }
0xf2: {  	s5 =	simm.s32 @!p2 $0x50C8;
	s4 =	smov.u32 @p2 s29;
	s7 =	sand.u32 @!p2 $0xFFFF8, s2  }
0xf3: {  	s31 =	sand.u32 @!p2 $0x7, s2;
	s2 =	sadd.s32 $0x1, s25;
	s14 =	sadd.s32 @!p2 s1, s7  }
.LBB2_14:
0xf4: {  	s7 =	smov.u32 s4  }
0xf5: {  	[tilespmem:s5], [sflag:$0x2] =	stream.linear.gather @!p2 [hbm4b:s14+s31], $0x40, $0x38;
	[tilespmem:$0x1EF88] =	vst v63  }
0xf6: {  	s0 =	sadd.s32 $0xFFFFFFFF, s0;
	s8 =	smov.u32 s3;
	v1 =	vld.msk [tilespmem:s2+$0x0], $0x1  }
0xf7: {  	p3 =	sne.s32 s0, $0x0;
	_ =	sdelay $0x3  }
0xf8: {  	(v2sf) =	vpush v1, $0x0;
	_ =	sdelay $0xe  }
0xf9: {  	s3 =	spop (v2sf)  }
0xfa: {  	p2 =	seq.s32 s8, s3  }
0xfb: {  	p4 =	sgt.s32 @!p2 s8, $0x0;
	s5 =	sshll.u32 @!p2 s4, $0x8;
	s4 =	sadd.s32 @!p2 $0x1, s4  }
.Ltmp11:
0xfc: {  	p4 =	por !p4, p2;
	s5 =	sshra.s32 @!p2 s5, $0x2;
	(pc) =	sbr.rel @p3 .LBB2_14-.Ltmp11, $4  }
0xfd: {  	s4 =	smov.u32 @p2 s7;
	s8 =	simm.s32 @p4 $0x0;
	s5 =	sadd.s32 @!p2 $0x50C8, s5  }
0xfe: {  	s7 =	smin.u32 @!p2 s8, $0xD6FF8  }
0xff: {  	s8 =	sand.u32 @!p2 $0xFFFF8, s7;
	s31 =	sand.u32 @!p2 $0x7, s7  }
0x100: {  	s2 =	sadd.s32 $0x1, s2;
	s14 =	sadd.s32 @!p2 s1, s8  }
.LBB2_15:
0x101: {  	[tilespmem:s5], [sflag:$0x2] =	stream.linear.gather @!p2 [hbm4b:s14+s31], $0x40, $0x38;
	[tilespmem:$0x1EF88] =	vst v63  }
.Ltmp12:
0x102: {  	s0 =	sshll.u32 s4, $0x6;
	(pc) =	sbr.rel .LBB2_16-.Ltmp12, $4  }
0x103: {  	s2 =	simm.s32 $0x2;
	s0 =	sand.u32 $0x3FFFFFC0, s0  }
0x104: {  	_ =	swait.ge [sflag:s2], s0  }
0x105: {  	s0 =	ssub.s32 $0x0, s0;
	[sflag:s2] =	ssyncset.done $0x0  }
0x106: {  	[sflag:s2] =	ssyncadd.s32 s0;
	s0 =	simm.s32 $0x0  }
.LBB2_17:
0x107: {  	v1 =	vld [tilespmem:s28+$0xFFFFFFE0]  }
0x108: {  	v2 =	vld [tilespmem:s2+$0x88];
	_ =	sdelay $0x4  }
0x109: {  	v1 =	vmax.f32 v1, v2  }
0x10a: {  	v2 =	vld [tilespmem:s2+$0x98];
	[tilespmem:s2+$0x88] =	vst v1  }
0x10b: {  	v1 =	vld [tilespmem:s28+$0xFFFFFFF0];
	_ =	sdelay $0x4  }
0x10c: {  	v1 =	vmax.f32 v1, v2  }
0x10d: {  	v2 =	vld [tilespmem:s2+$0xA8];
	[tilespmem:s2+$0x98] =	vst v1  }
0x10e: {  	v1 =	vld [tilespmem:s28+$0x0];
	_ =	sdelay $0x4  }
0x10f: {  	v1 =	vmax.f32 v1, v2  }
0x110: {  	v2 =	vld [tilespmem:s2+$0xB8];
	[tilespmem:s2+$0xA8] =	vst v1  }
0x111: {  	v1 =	vld [tilespmem:s28+$0x10];
	_ =	sdelay $0x4  }
0x112: {  	v1 =	vmax.f32 v1, v2  }
0x113: {  	[tilespmem:s2+$0xB8] =	vst v1  }
.LBB2_21:
0x114: {  	s24 =	sadd.s32 $0xFFFFFFFF, s24  }
0x115: {  	p2 =	sne.s32 s24, $0x0  }
.Ltmp13:
0x116: {  	_ = 	snop;
	(pc) =	sbr.rel @!p2 .LBB2_22-.Ltmp13, $2  }
0x117: {  	_ =	sdelay $0x2  }
0x118: {  	s28 =	sadd.s32 $0x80, s28;
	s25 =	sadd.s32 $0x1, s25;
	s30 =	smov.u32 s31  }
.LBB2_16:
0x119: {  	v1 =	vld.msk [tilespmem:s25+$0x0], $0x1;
	_ =	sdelay $0x4  }
0x11a: {  	(v2sf) =	vpush v1, $0x0;
	_ =	sdelay $0xe  }
0x11b: {  	s31 =	spop (v2sf)  }
0x11c: {  	p2 =	sne.s32 s30, s31  }
.Ltmp14:
0x11d: {  	_ = 	snop;
	(pc) =	sbr.rel @!p2 .LBB2_17-.Ltmp14, $3  }
0x11e: {  	_ =	sdelay $0x1  }
0x11f: {  	s2 =	sshll.u32 s23, $0x8  }
0x120: {  	s2 =	sshra.s32 s2, $0x2  }
0x121: {  	p2 =	seq.s32 s30, s26  }
.Ltmp15:
0x122: {  	_ = 	snop;
	(pc) =	sbr.rel @!p2 .LBB2_19-.Ltmp15, $1  }
0x123: {  	_ =	sdelay $0x3  }
.Ltmp16:
0x124: {  	s2 =	sadd.s32 $0x88, s2;
	(pc) =	sbr.rel .LBB2_20-.Ltmp16, $4  }
0x125: {  	[spmem:s15] =	stream.linear.scatter [tilespmem:s2], [sflag:$0x1], $0x40, $0x38;
	[tilespmem:$0x1EF88] =	vst v63  }
0x126: {  	_ =	swait.ge [sflag:s18], $0x40  }
0x127: {  	[sflag:s18] =	ssyncset.done $0x0  }
0x128: {  	[sflag:s18] =	ssyncadd.s32 $0xFFFFFFC0  }
.LBB2_19:
0x129: {  	s3 =	sshll.u32 s29, $0x8  }
0x12a: {  	v2 =	vld [tilespmem:s2+$0x88];
	s3 =	sshra.s32 s3, $0x2  }
0x12b: {  	v1 =	vld [tilespmem:s3+$0x50C8];
	_ =	sdelay $0x4  }
0x12c: {  	v1 =	vmax.f32 v1, v2  }
0x12d: {  	v2 =	vld [tilespmem:s2+$0x98];
	[tilespmem:s2+$0x88] =	vst v1  }
0x12e: {  	v1 =	vld [tilespmem:s3+$0x50D8];
	_ =	sdelay $0x4  }
0x12f: {  	v1 =	vmax.f32 v1, v2  }
0x130: {  	v2 =	vld [tilespmem:s2+$0xA8];
	[tilespmem:s2+$0x98] =	vst v1  }
0x131: {  	v1 =	vld [tilespmem:s3+$0x50E8];
	_ =	sdelay $0x4  }
0x132: {  	v1 =	vmax.f32 v1, v2  }
0x133: {  	v2 =	vld [tilespmem:s2+$0xB8];
	[tilespmem:s2+$0xA8] =	vst v1  }
0x134: {  	v1 =	vld [tilespmem:s3+$0x50F8];
	_ =	sdelay $0x3  }
0x135: {  	p2 =	sgt.u32 s30, $0xD6FF8  }
0x136: {  	s3 =	sand.u32 @!p2 $0xFFFF8, s30;
	v1 =	vmax.f32 v1, v2  }
0x137: {  	s4 =	sadd.s32 $0x88, s2;
	[tilespmem:s2+$0xB8] =	vst v1;
	s2 =	sadd.s32 @!p2 s1, s3;
	s3 =	sand.u32 @!p2 $0x7, s30  }
0x138: {  	[hbm4b:s2+s3] =	stream.linear.scatter @!p2 [tilespmem:s4], [sflag:$0xC], $0x40, $0x38;
	[tilespmem:$0x1EF88] =	vst v63  }
0x139: {  	s2 =	simm.s32 $0x0  }
0x13a: {  	s2 =	simm.s32 @!p2 $0x100  }
0x13b: {  	s0 =	sadd.s32 s2, s0  }
.LBB2_20:
0x13c: {  	s2 =	sadd.s32 $0x1, s23  }
0x13d: {  	s3 =	smulhi.u32 $0xCCCCCCCD, s2;
	_ =	sdelay $0x1  }
0x13e: {  	v1 =	vld [tilespmem:s28+$0xFFFFFFE0];
	s3 =	sshrl.u32 s3, $0x8  }
0x13f: {  	s3 =	smul.u32 $0x140, s3;
	_ =	sdelay $0x1  }
0x140: {  	s23 =	ssub.s32 s2, s3  }
0x141: {  	s2 =	sshll.u32 s23, $0x6  }
0x142: {  	[tilespmem:s2+$0x88] =	vst v1  }
0x143: {  	v1 =	vld [tilespmem:s28+$0xFFFFFFF0];
	_ =	sdelay $0x4  }
0x144: {  	[tilespmem:s2+$0x98] =	vst v1  }
0x145: {  	v1 =	vld [tilespmem:s28+$0x0];
	_ =	sdelay $0x4  }
0x146: {  	[tilespmem:s2+$0xA8] =	vst v1  }
0x147: {  	v1 =	vld [tilespmem:s28+$0x10]  }
.Ltmp17:
0x148: {  	_ = 	snop;
	(pc) =	sbr.rel .LBB2_21-.Ltmp17, $2  }
0x149: {  	_ =	sdelay $0x2  }
0x14a: {  	s29 =	sadd.s32 $0x1, s29;
	[tilespmem:s2+$0xB8] =	vst v1  }
.LBB2_23:
.Ltmp18:
0x14b: {  	(pc) =	sbr.rel .LBB2_24-.Ltmp18, $4  }
0x14c: {  	_ = 	snop  }
0x14d: {  	s0 =	simm.s32 $0x2  }
0x14e: {  	_ =	swait.ge [sflag:s0], $0x0  }
0x14f: {  	s31 =	smov.u32 s30;
	[sflag:s0] =	ssyncset.done $0x0;
	s0 =	simm.s32 $0x0  }
.LBB2_26:
0x150: {  	_ =	sfence.sel $0x180000  }
0x151: {  	s0 =	simm.s32 $0x9;
	[bflag:$0x0] =	sbarrier.arrive $0xFFFF  }
0x152: {  	s24 =	simm.s32 $0xA;
	[sflag:s0] =	ssyncpa.u1 $0x1  }
0x153: {  	s25 =	simm.s32 $0xB;
	[sflag:s24] =	ssyncpa.u1 $0x1  }
0x154: {  	s26 =	simm.s32 $0x2;
	[sflag:s25] =	ssyncpa.u1 $0x1  }
0x155: {  	[sflag:s26] =	ssyncpa.u1 $0x1  }
0x156: {  	v0 =	vld [tilespmem:$0xA108];
	_ =	sdelay $0x4  }
0x157: {  	(v2sf) =	vpush v0, $0x0  }
0x158: {  	(v2sf) =	vpush v0, $0x1;
	_ =	sdelay $0x1  }
0x159: {  	(v2sf) =	vpush v0, $0x2;
	_ =	sdelay $0xb  }
0x15a: {  	s0 =	spop (v2sf)  }
0x15b: {  	s2 =	spop (v2sf)  }
0x15c: {  	s3 =	smov.u32 s0;
	p0 =	sne.s32 s0, s2  }
0x15d: {  	s4 =	spop (v2sf);
	s3 =	simm.s32 @!p0 $0xFFFFFFFF  }
0x15e: {  	v2 =	vimm.s32 $0x1;
	v3 =	vlaneseq.u32;
	p0 =	seq.s32 s4, $0xFFFFFFFF;
	v1 =	vmov s3  }
0x15f: {  	s14 =	stileid.u32;
	v0 =	vperm.xlane v0, v2;
	p1 =	sne.s32 @!p0 s0, s2;
	v1 =	vperm.xlane v1, v3  }
0x160: {  	vm0 =	vcmask $0x3F04;
	s6 =	simm.s32 $0xA108;
	s0 =	simm.s32 @!p0 $0x1;
	p1 =	por !p1, p0  }
0x161: {  	s3 =	sshll.u32 s14, $0x1;
	s2 =	sshll.u32 @!p0 s4, $0x8;
	s0 =	simm.s32 @p1 $0x0;
	v0 =	vsel vm0, v1, v0  }
0x162: {  	s5 =	sor.u32 $0x800, s3;
	s2 =	sshra.s32 @!p0 s2, $0x2;
	s0 =	sor.u32 @!p0 s0, s3;
	[tilespmem:$0xA108] =	vst v0  }
0x163: {  	[spmem:s5] =	stream.linear.scatter [tilespmem:s6], [sflag:$0x1], $0x2, $0x38;
	[tilespmem:$0x1EF88] =	vst v63  }
0x164: {  	s2 =	sadd.s32 @!p0 $0x88, s2;
	s0 =	sshll.u32 @!p0 s0, $0x6  }
0x165: {  	[spmem:s0] =	stream.linear.scatter @!p0 [tilespmem:s2], [sflag:$0x1], $0x40, $0x38;
	[tilespmem:$0x1EF88] =	vst v63  }
0x166: {  	s0 =	simm.s32 @!p0 $0x42  }
0x167: {  	s28 =	simm.s32 $0x1;
	s0 =	simm.s32 @p0 $0x2  }
0x168: {  	_ =	swait.ge [sflag:s28], s0  }
0x169: {  	s0 =	ssub.s32 $0x0, s0;
	[sflag:s28] =	ssyncset.done $0x0  }
0x16a: {  	p0 =	sne.s32 s14, $0x0;
	[sflag:s28] =	ssyncadd.s32 s0  }
.Ltmp19:
0x16b: {  	_ =	sfence.stream.spmem;
	(pc) =	sbr.rel @p0 .LBB2_43-.Ltmp19, $4  }
0x16c: {  	s29 =	simm.s32 $0x3;
	[bflag:$0x0] =	sbarrier.arrive $0xFFFF  }
0x16d: {  	s30 =	simm.s32 $0x4;
	[sflag:s29] =	ssyncpa.u1 $0x1  }
0x16e: {  	s31 =	simm.s32 $0x3C;
	[sflag:s30] =	ssyncpa.u1 $0x1  }
0x16f: {  	s13 =	rddreg [dreg:$0x5];
	[sflag:s31] =	ssyncpa.u1 $0x1  }
0x170: {  	_ =	sfence.stream.spmem;
	s0 =	simm.s32 $0x5  }
0x171: {  	s2 =	simm.s32 $0x800;
	s3 =	simm.s32 $0xA118;
	[sflag:s0] =	ssyncpa.u1 $0x0  }
0x172: {  	[tilespmem:s3], [sflag:$0x5] =	stream.linear.gather [spmem:s2], $0x20, $0x38;
	[tilespmem:$0x1EF88] =	vst v63  }
0x173: {  	s26 =	simm.s32 $0x0;
	s28 =	simm.s32 $0xA138  }
0x174: {  	[tilespmem:s28], [sflag:$0x5] =	stream.linear.gather [spmem:s26], $0x800, $0x38;
	[tilespmem:$0x1EF88] =	vst v63  }
0x175: {  	_ =	swait.ge [sflag:s0], $0x820  }
0x176: {  	[sflag:s0] =	ssyncset.done $0x0  }
0x177: {  	s29 =	simm.s32 $0x0;
	[sflag:s0] =	ssyncadd.s32 $0xFFFFF7E0  }
0x178: {  	v0 =	vld.msk [tilespmem:s29+$0xA118], $0x1;
	_ =	sdelay $0x1  }
0x179: {  	s30 =	simm.s32 $0x1  }
0x17a: {  	v1 =	vld.msk [tilespmem:s30+$0xA118], $0x1;
	_ =	sdelay $0x1  }
0x17b: {  	(v2sf) =	vpush v0, $0x0;
	_ =	sdelay $0x2  }
0x17c: {  	(v2sf) =	vpush v1, $0x0;
	_ =	sdelay $0x2  }
0x17d: {  	s31 =	simm.s32 $0x2  }
0x17e: {  	v0 =	vld.msk [tilespmem:s31+$0xA118], $0x1;
	_ =	sdelay $0x2  }
0x17f: {  	s2 =	simm.s32 $0xFFFFFFFF;
	s3 =	simm.s32 $0xFFFFFFFF;
	s0 =	simm.s32 $0xC  }
.LBB2_28:
0x180: {  	s4 =	smov.u32 s3;
	s5 =	smov.u32 s2  }
0x181: {  	s2 =	sshra.s32 s0, $0x2;
	p1 =	sne.s32 s0, $0x7C;
	s0 =	sadd.s32 $0x4, s0;
	(v2sf) =	vpush v0, $0x0  }
0x182: {  	v0 =	vld.msk [tilespmem:s2+$0xA118], $0x1  }
.Ltmp20:
0x183: {  	(pc) =	sbr.rel @p1 .LBB2_28-.Ltmp20, $4  }
0x184: {  	s3 =	spop (v2sf)  }
0x185: {  	p2 =	sne.s32 s5, $0xFFFFFFFF;
	s2 =	smov.u32 s3  }
0x186: {  	p3 =	seq.s32 s3, $0xFFFFFFFF;
	s2 =	smov.u32 @p2 s5  }
0x187: {  	s3 =	smov.u32 @p3 s4;
	s2 =	smov.u32 @p3 s5  }
0x188: {  	(v2sf) =	vpush v0, $0x0;
	_ =	sdelay $0x8  }
0x189: {  	s0 =	spop (v2sf)  }
0x18a: {  	p1 =	sne.s32 s2, $0xFFFFFFFF;
	s4 =	smov.u32 s0  }
0x18b: {  	s9 =	simm.s32 $0x6;
	p2 =	seq.s32 s0, $0xFFFFFFFF;
	s4 =	smov.u32 @p1 s2  }
0x18c: {  	s6 =	simm.s32 $0x0;
	s4 =	smov.u32 @p2 s2;
	s2 =	spop (v2sf)  }
0x18d: {  	s0 =	smov.u32 @p2 s3;
	p1 =	sne.s32 s4, $0xFFFFFFFF;
	s5 =	smov.u32 s2  }
.Ltmp21:
0x18e: {  	p2 =	seq.s32 s2, $0xFFFFFFFF;
	s5 =	smov.u32 @p1 s4;
	(pc) =	sbr.rel .LBB2_30-.Ltmp21, $4  }
0x18f: {  	s10 =	simm.s32 $0xA0C8;
	s5 =	smov.u32 @p2 s4;
	s7 =	spop (v2sf)  }
0x190: {  	s11 =	simm.s32 $0x0;
	p1 =	sne.s32 s5, $0xFFFFFFFF;
	s8 =	smov.u32 s7  }
0x191: {  	s2 =	smov.u32 @p2 s0;
	p2 =	seq.s32 s7, $0xFFFFFFFF;
	s8 =	smov.u32 @p1 s5  }
0x192: {  	[sflag:s9] =	ssyncpa.u1 $0x0;
	s7 =	smov.u32 @p2 s2;
	s8 =	smov.u32 @p2 s5  }
.LBB2_36:
0x193: {  	p1 =	sgt.u32 s0, $0xD6FF8  }
0x194: {  	p2 =	seq.s32 @!p1 s0, s8  }
0x195: {  	p1 =	por p1, p2  }
0x196: {  	p2 =	sne.s32 @!p1 s0, s7  }
0x197: {  	p1 =	por p1, !p2  }
0x198: {  	s0 =	sshll.u32 @p1 s11, $0x8  }
0x199: {  	s2 =	sand.u32 @!p1 $0xFFFF8, s0  }
0x19a: {  	s0 =	sand.u32 @!p1 $0x7, s0;
	s2 =	sadd.s32 @!p1 s1, s2  }
0x19b: {  	[tilespmem:s10], [sflag:$0x6] =	stream.linear.gather @!p1 [hbm4b:s2+s0], $0x40, $0x38;
	[tilespmem:$0x1EF88] =	vst v63  }
0x19c: {  	_ =	swait.ge @!p1 [sflag:s9], $0x40  }
0x19d: {  	[sflag:s9] =	ssyncset.done @!p1 $0x0  }
0x19e: {  	s0 =	sshll.u32 @!p1 s11, $0x8;
	[sflag:s9] =	ssyncadd.s32 @!p1 $0xFFFFFFC0  }
0x19f: {  	s2 =	sshrl.u32 @!p1 s0, $0x2;
	v1 =	vld @!p1 [tilespmem:$0xA0C8]  }
0x1a0: {  	v2 =	vld @!p1 [tilespmem:s2+$0xA138];
	_ =	sdelay $0x4  }
0x1a1: {  	v1 =	vmax.f32 @!p1 v1, v2  }
0x1a2: {  	v2 =	vld @!p1 [tilespmem:s2+$0xA148];
	[tilespmem:s2+$0xA138] =	vst @!p1 v1  }
0x1a3: {  	v1 =	vld @!p1 [tilespmem:$0xA0D8];
	_ =	sdelay $0x4  }
0x1a4: {  	v1 =	vmax.f32 @!p1 v1, v2  }
0x1a5: {  	v2 =	vld @!p1 [tilespmem:s2+$0xA158];
	[tilespmem:s2+$0xA148] =	vst @!p1 v1  }
0x1a6: {  	v1 =	vld @!p1 [tilespmem:$0xA0E8];
	_ =	sdelay $0x4  }
0x1a7: {  	v1 =	vmax.f32 @!p1 v1, v2  }
0x1a8: {  	v2 =	vld @!p1 [tilespmem:s2+$0xA168];
	[tilespmem:s2+$0xA158] =	vst @!p1 v1  }
0x1a9: {  	v1 =	vld @!p1 [tilespmem:$0xA0F8];
	_ =	sdelay $0x4  }
0x1aa: {  	v1 =	vmax.f32 @!p1 v1, v2  }
0x1ab: {  	[tilespmem:s2+$0xA168] =	vst @!p1 v1  }
0x1ac: {  	s0 =	sshrl.u32 s0, $0x2;
	[tilespmem:s6+$0xA118] =	vst.msk $0x1, v0  }
0x1ad: {  	v0 =	vld [tilespmem:s0+$0xA138];
	_ =	sdelay $0x2  }
0x1ae: {  	s31 =	sshll.u32 s6, $0x8  }
0x1af: {  	s2 =	sshra.s32 s31, $0x2  }
0x1b0: {  	[tilespmem:s2+$0xA138] =	vst v0  }
0x1b1: {  	v0 =	vld [tilespmem:s0+$0xA148];
	_ =	sdelay $0x4  }
0x1b2: {  	[tilespmem:s2+$0xA148] =	vst v0  }
0x1b3: {  	v0 =	vld [tilespmem:s0+$0xA158];
	_ =	sdelay $0x4  }
0x1b4: {  	[tilespmem:s2+$0xA158] =	vst v0  }
0x1b5: {  	v0 =	vld [tilespmem:s0+$0xA168];
	_ =	sdelay $0x4  }
0x1b6: {  	s6 =	sadd.s32 $0x1, s6;
	[tilespmem:s2+$0xA168] =	vst v0  }
.LBB2_37:
0x1b7: {  	s11 =	sadd.s32 $0x1, s11  }
0x1b8: {  	p1 =	sne.s32 s11, $0x20  }
.Ltmp22:
0x1b9: {  	_ = 	snop;
	(pc) =	sbr.rel @!p1 .LBB2_38-.Ltmp22, $1  }
0x1ba: {  	_ =	sdelay $0x3  }
.LBB2_30:
0x1bb: {  	v0 =	vld.msk [tilespmem:s11+$0xA118], $0x1;
	_ =	sdelay $0x4  }
0x1bc: {  	(v2sf) =	vpush v0, $0x0;
	_ =	sdelay $0xe  }
0x1bd: {  	s0 =	spop (v2sf)  }
0x1be: {  	p1 =	seq.s32 s0, $0xFFFFFFFF  }
.Ltmp23:
0x1bf: {  	_ = 	snop;
	(pc) =	sbr.rel @p1 .LBB2_37-.Ltmp23, $1  }
0x1c0: {  	_ =	sdelay $0x3  }
0x1c1: {  	p1 =	slt.s32 s6, $0x1  }
.Ltmp24:
0x1c2: {  	_ = 	snop;
	(pc) =	sbr.rel @p1 .LBB2_36-.Ltmp24, $1  }
0x1c3: {  	_ =	sdelay $0x3  }
0x1c4: {  	s2 =	simm.s32 $0xA118;
	p1 =	por $0x0, $0x0  }
0x1c5: {  	v1 =	vld.msk @!p1 [tilespmem:s2+$0x0], $0x1;
	_ =	sdelay $0x4  }
0x1c6: {  	(v2sf) =	vpush @!p1 v1, $0x0;
	_ =	sdelay $0xd  }
0x1c7: {  	p3 =	sne.s32 s6, $0x1  }
.Ltmp25:
0x1c8: {  	s3 =	spop @!p1 (v2sf);
	(pc) =	sbr.rel @!p3 .LBB2_34-.Ltmp25, $4  }
0x1c9: {  	p2 =	seq.s32 @!p1 s0, s3  }
0x1ca: {  	s3 =	simm.s32 $0x0;
	p2 =	por !p2, p1  }
0x1cb: {  	s5 =	simm.s32 $0xFFFFFFFF;
	s3 =	simm.s32 @p2 $0xFFFFFFFF  }
0x1cc: {  	s4 =	simm.s32 $0x1;
	s3 =	smov.u32 @p1 s5  }
.LBB2_33:
0x1cd: {  	s5 =	smov.u32 s3;
	p1 =	sne.s32 s3, $0xFFFFFFFF  }
0x1ce: {  	s2 =	sadd.s32 $0x1, s2;
	s3 =	smov.u32 s4;
	s4 =	sadd.s32 $0x1, s4  }
0x1cf: {  	p2 =	sne.s32 s6, s4;
	v1 =	vld.msk @!p1 [tilespmem:s2+$0x0], $0x1;
	_ =	sdelay $0x4  }
0x1d0: {  	(v2sf) =	vpush @!p1 v1, $0x0;
	_ =	sdelay $0xe  }
.Ltmp26:
0x1d1: {  	s12 =	spop @!p1 (v2sf);
	(pc) =	sbr.rel @p2 .LBB2_33-.Ltmp26, $4  }
0x1d2: {  	p3 =	seq.s32 @!p1 s0, s12  }
0x1d3: {  	p3 =	por !p3, p1  }
0x1d4: {  	s3 =	simm.s32 @p3 $0xFFFFFFFF  }
0x1d5: {  	s3 =	smov.u32 @p1 s5  }
.LBB2_34:
0x1d6: {  	p1 =	seq.s32 s3, $0xFFFFFFFF  }
.Ltmp27:
0x1d7: {  	_ = 	snop;
	(pc) =	sbr.rel @p1 .LBB2_36-.Ltmp27, $1  }
0x1d8: {  	_ =	sdelay $0x3  }
0x1d9: {  	s0 =	sshll.u32 s11, $0x6  }
0x1da: {  	s2 =	sshll.u32 s3, $0x8;
	s0 =	sand.u32 $0x3FFFFFC0, s0  }
0x1db: {  	s2 =	sshra.s32 s2, $0x2;
	v0 =	vld [tilespmem:s0+$0xA138]  }
0x1dc: {  	v1 =	vld [tilespmem:s2+$0xA138];
	_ =	sdelay $0x4  }
0x1dd: {  	v0 =	vmax.f32 v0, v1  }
0x1de: {  	v61 =	vld [tilespmem:s2+$0xA148];
	[tilespmem:s2+$0xA138] =	vst v0  }
0x1df: {  	v0 =	vld [tilespmem:s0+$0xA148];
	_ =	sdelay $0x4  }
0x1e0: {  	v0 =	vmax.f32 v0, v61  }
0x1e1: {  	v62 =	vld [tilespmem:s2+$0xA158];
	[tilespmem:s2+$0xA148] =	vst v0  }
0x1e2: {  	v0 =	vld [tilespmem:s0+$0xA158];
	_ =	sdelay $0x4  }
0x1e3: {  	v0 =	vmax.f32 v0, v62  }
0x1e4: {  	v63 =	vld [tilespmem:s2+$0xA168];
	[tilespmem:s2+$0xA158] =	vst v0  }
0x1e5: {  	v0 =	vld [tilespmem:s0+$0xA168];
	_ =	sdelay $0x1  }
.Ltmp28:
0x1e6: {  	_ = 	snop;
	(pc) =	sbr.rel .LBB2_37-.Ltmp28, $3  }
0x1e7: {  	_ =	sdelay $0x1  }
0x1e8: {  	v0 =	vmax.f32 v0, v63  }
0x1e9: {  	[tilespmem:s2+$0xA168] =	vst v0  }
.LBB2_38:
0x1ea: {  	s0 =	simm.s32 $0x6;
	p1 =	seq.s32 s6, $0x0  }
0x1eb: {  	[sflag:s0] =	ssyncpa.u1 $0x1;
	v0 =	vimm.s32 @p1 $0xFFFFFFFF  }
0x1ec: {  	s0 =	sadd.s32 $0xFFFFFFFF, s6;
	[tilespmem:$0xA938] =	vst @p1 v0  }
0x1ed: {  	v0 =	vld.msk @!p1 [tilespmem:s0+$0xA118], $0x1;
	_ =	sdelay $0x1  }
0x1ee: {  	v1 =	vld.msk @!p1 [tilespmem:$0xA118], $0x1;
	_ =	sdelay $0x2  }
0x1ef: {  	p2 =	seq.s32 @!p1 s0, $0x0;
	v0 =	vbroadcast @!p1 v0, $0x0  }
0x1f0: {  	vm0 =	vmmov @!p1 $0x1;
	p2 =	por !p2, p1  }
0x1f1: {  	v1 =	vnsel @!p1 vm0, $0xFFFFFFFF, v1;
	vm0 =	vcmask @!p1 $0x308;
	v0 =	vpsel !p2, $0xFFFFFFFF, v0  }
0x1f2: {  	p2 =	sne.s32 @!p1 s8, s7;
	v0 =	vsel @!p1 vm0, v1, v0  }
0x1f3: {  	s2 =	simm.s32 @!p1 $0xA138;
	s3 =	simm.s32 @!p1 $0x0;
	p3 =	por !p2, p1;
	[tilespmem:$0xA938] =	vst @!p1 v0  }
0x1f4: {  	[spmem:s3] =	stream.linear.scatter @!p1 [tilespmem:s2], [sflag:$0x1], $0x40, $0x38;
	[tilespmem:$0x1EF88] =	vst v63  }
0x1f5: {  	s2 =	sshll.u32 @!p3 s0, $0x8  }
0x1f6: {  	s2 =	sshra.s32 @!p3 s2, $0x2  }
0x1f7: {  	s3 =	simm.s32 @!p3 $0x40;
	s2 =	sadd.s32 @!p3 $0xA138, s2  }
0x1f8: {  	[spmem:s3] =	stream.linear.scatter @!p3 [tilespmem:s2], [sflag:$0x1], $0x40, $0x38;
	[tilespmem:$0x1EF88] =	vst v63  }
0x1f9: {  	s2 =	simm.s32 @!p3 $0x1  }
0x1fa: {  	_ =	swait.ge @!p3 [sflag:s2], $0x80  }
0x1fb: {  	p1 =	por p2, p1;
	[sflag:s2] =	ssyncset.done @!p3 $0x0  }
0x1fc: {  	[sflag:s2] =	ssyncadd.s32 @!p3 $0xFFFFFF80;
	s2 =	simm.s32 @!p1 $0x1  }
0x1fd: {  	_ =	swait.ge @!p1 [sflag:s2], $0x40  }
0x1fe: {  	s29 =	simm.s32 $0xA938;
	[sflag:s2] =	ssyncset.done @!p1 $0x0  }
0x1ff: {  	s30 =	simm.s32 $0x800;
	s31 =	simm.s32 $0x1;
	[sflag:s2] =	ssyncadd.s32 @!p1 $0xFFFFFFC0  }
0x200: {  	[spmem:s30] =	stream.linear.scatter [tilespmem:s29], [sflag:$0x1], $0x10, $0x38;
	[tilespmem:$0x1EF88] =	vst v63  }
0x201: {  	_ =	swait.ge [sflag:s31], $0x10  }
0x202: {  	[sflag:s31] =	ssyncset.done $0x0  }
0x203: {  	p1 =	seq.s32 s13, $0x0;
	s9 =	rddreg [dreg:$0x2];
	[sflag:s31] =	ssyncadd.s32 $0xFFFFFFF0  }
0x204: {  	s3 =	sshll.u32 @p1 s9, $0xE;
	s8 =	rddreg [dreg:$0x3]  }
0x205: {  	s2 =	sadd.s32 @p1 $0x15C3C, s3;
	s3 =	sshll.u32 @p1 s8, $0x11  }
0x206: {  	_ =	sfence.stream.spmem;
	s2 =	sor.u32 @p1 s3, s2  }
0x207: {  	[sflag:s2] =	ssyncadd.remote.s32 @p1 $0x1;
	s2 =	simm.s32 @p1 $0x4  }
0x208: {  	s4 =	simm.s32 @!p1 $0x3C;
	s3 =	sand.u32 $0xFFFFFFFE, s9;
	_ =	swait.ge @p1 [sflag:s2], $0x12  }
0x209: {  	s5 =	simm.s32 @!p1 $0x0;
	s3 =	sadd.s32 @!p1 $0x4, s3;
	[sflag:s2] =	ssyncset.done @p1 $0x0  }
0x20a: {  	s7 =	simm.s32 @!p1 $0x80;
	[sflag:s2] =	ssyncadd.s32 @p1 $0xFFFFFFEE;
	s2 =	sshll.u32 @!p1 s3, $0x1A  }
0x20b: {  	s3 =	sshll.u32 @!p1 s3, $0xD;
	s2 =	sor.u32 @!p1 s2, s8;
	_ =	swait.eq @!p1 [sflag:s4], $0x1  }
0x20c: {  	s3 =	sor.u32 @!p1 $0x1C04, s3;
	s4 =	simm.s32 @!p1 $0x1C03;
	s2 =	sor.u32 @!p1 $0x80004000, s2  }
0x20d: {  	[spmem:s7], [sflag:s3] =	dma.general @!p1 [spmem:s5], [sflag:s4], length:$0x10, [dreg:$0x0], stride_count:$0x0, ici_dest:s2, dma_misc:DstOpCode:WRITE  }
0x20e: {  	p2 =	slt.s32 s0, $0x2;
	s5 =	simm.s32 @!p1 $0x100;
	s7 =	simm.s32 @!p1 $0x102  }
0x20f: {  	[spmem:s7], [sflag:s3] =	dma.general @!p1 [spmem:s5], [sflag:s4], length:$0x2, [dreg:$0x0], stride_count:$0x0, ici_dest:s2, dma_misc:DstOpCode:WRITE  }
.Ltmp29:
0x210: {  	s2 =	simm.s32 @!p1 $0x3;
	(pc) =	sbr.rel @p2 .LBB2_42-.Ltmp29, $4  }
0x211: {  	s3 =	sshll.u32 @!p1 s9, $0xE;
	_ =	swait.ge @!p1 [sflag:s2], $0x12  }
0x212: {  	s4 =	sshll.u32 @!p1 s8, $0x11;
	s3 =	sadd.s32 @!p1 $0x11C3C, s3;
	[sflag:s2] =	ssyncset.done @!p1 $0x0  }
0x213: {  	[sflag:s2] =	ssyncadd.s32 @!p1 $0xFFFFFFEE;
	s2 =	sor.u32 @!p1 s4, s3  }
0x214: {  	s0 =	simm.s32 $0x0;
	[sflag:s2] =	ssyncadd.remote.s32 @!p1 $0xFFFFFFFF  }
0x215: {  	s0 =	simm.s32 $0xA119  }
0x216: {  	v0 =	vld.msk [tilespmem:s0+$0x0], $0x1;
	_ =	sdelay $0x4  }
0x217: {  	(v2sf) =	vpush v0, $0x0;
	_ =	sdelay $0xc  }
0x218: {  	s2 =	sadd.s32 $0xFFFFFFFE, s6  }
0x219: {  	s2 =	sadd.s32 $0xFFFFFFFF, s2  }
0x21a: {  	p2 =	sne.s32 s2, $0x0;
	s3 =	spop (v2sf)  }
.Ltmp30:
0x21b: {  	p1 =	sgt.u32 s3, $0xD6FF8;
	(pc) =	sbr.rel @!p2 .LBB2_41-.Ltmp30, $4  }
0x21c: {  	s5 =	simm.s32 $0x0;
	s4 =	sand.u32 @!p1 $0xFFFF8, s3  }
0x21d: {  	s0 =	simm.s32 $0xA178;
	s3 =	sand.u32 @!p1 $0x7, s3;
	s4 =	sadd.s32 @!p1 s1, s4  }
0x21e: {  	[hbm4b:s4+s3] =	stream.linear.scatter @!p1 [tilespmem:s0], [sflag:$0x5], $0x40, $0x38;
	[tilespmem:$0x1EF88] =	vst v63  }
0x21f: {  	s5 =	simm.s32 @!p1 $0x100;
	s3 =	simm.s32 $0x0;
	s4 =	simm.s32 $0xA11A  }
.LBB2_40:
0x220: {  	v0 =	vld.msk [tilespmem:s4+$0x0], $0x1;
	s2 =	sadd.s32 $0xFFFFFFFF, s2;
	s3 =	sadd.s32 s3, s5  }
0x221: {  	p1 =	sne.s32 s2, $0x0;
	_ =	sdelay $0x3  }
0x222: {  	(v2sf) =	vpush v0, $0x0;
	_ =	sdelay $0xe  }
.Ltmp31:
0x223: {  	s6 =	spop (v2sf);
	(pc) =	sbr.rel @p1 .LBB2_40-.Ltmp31, $4  }
0x224: {  	s5 =	simm.s32 $0x0;
	p2 =	sgt.u32 s6, $0xD6FF8  }
0x225: {  	s0 =	sadd.s32 $0x40, s0;
	s5 =	simm.s32 @!p2 $0x100;
	s7 =	sand.u32 @!p2 $0xFFFF8, s6  }
0x226: {  	s4 =	sadd.s32 $0x1, s4;
	s6 =	sand.u32 @!p2 $0x7, s6;
	s7 =	sadd.s32 @!p2 s1, s7  }
0x227: {  	[hbm4b:s7+s6] =	stream.linear.scatter @!p2 [tilespmem:s0], [sflag:$0x5], $0x40, $0x38;
	[tilespmem:$0x1EF88] =	vst v63  }
.LBB2_41:
0x228: {  	s0 =	sadd.s32 s3, s5  }
0x229: {  	s0 =	sshrl.u32 s0, $0x2  }
.LBB2_42:
0x22a: {  	s2 =	simm.s32 $0x5  }
0x22b: {  	_ =	swait.ge [sflag:s2], s0  }
0x22c: {  	s31 =	ssub.s32 $0x0, s0;
	[sflag:s2] =	ssyncset.done $0x0  }
0x22d: {  	[sflag:s2] =	ssyncadd.s32 s31  }
0x22e: {  	[sflag:s2] =	ssyncpa.u1 $0x1  }
.LBB2_43:
0x22f: {  	s0 =	sor.u32 s13, s14  }
0x230: {  	p1 =	sne.s32 s0, $0x0  }
.Ltmp32:
0x231: {  	_ = 	snop;
	(pc) =	sbr.rel @p1 .LBB2_58-.Ltmp32, $3  }
0x232: {  	_ =	sdelay $0x1  }
0x233: {  	[bflag:$0x0] =	sbarrier.arrive $0xFFFF  }
0x234: {  	_ =	sfence  }
0x235: {  	s0 =	simm.s32 $0x7  }
0x236: {  	s2 =	simm.s32 $0x800;
	s3 =	simm.s32 $0xA118;
	[sflag:s0] =	ssyncpa.u1 $0x0  }
0x237: {  	[tilespmem:s3], [sflag:$0x7] =	stream.linear.gather [spmem:s2], $0x20, $0x38;
	[tilespmem:$0x1EF88] =	vst v63  }
0x238: {  	s30 =	simm.s32 $0xA138;
	s2 =	simm.s32 $0x0  }
0x239: {  	[tilespmem:s30], [sflag:$0x7] =	stream.linear.gather [spmem:s2], $0x800, $0x38;
	[tilespmem:$0x1EF88] =	vst v63  }
.Ltmp33:
0x23a: {  	_ = 	snop;
	(pc) =	sbr.rel .LBB2_45-.Ltmp33, $4  }
0x23b: {  	_ =	swait.ge [sflag:s0], $0x820  }
0x23c: {  	[sflag:s0] =	ssyncset.done $0x0  }
0x23d: {  	s31 =	simm.s32 $0x8;
	[sflag:s0] =	ssyncadd.s32 $0xFFFFF7E0  }
0x23e: {  	s3 =	simm.s32 $0x0;
	[sflag:s31] =	ssyncpa.u1 $0x0  }
.LBB2_51:
0x23f: {  	p1 =	slt.u32 s0, $0xD6FF9  }
0x240: {  	s4 =	sand.u32 @p1 $0xFFFF8, s0  }
0x241: {  	s0 =	sand.u32 @p1 $0x7, s0;
	s5 =	simm.s32 @p1 $0xA0C8;
	s4 =	sadd.s32 @p1 s1, s4  }
0x242: {  	[tilespmem:s5], [sflag:$0x8] =	stream.linear.gather @p1 [hbm4b:s4+s0], $0x40, $0x38;
	[tilespmem:$0x1EF88] =	vst v63  }
0x243: {  	s0 =	simm.s32 @p1 $0x8  }
0x244: {  	_ =	swait.ge @p1 [sflag:s0], $0x40  }
0x245: {  	[sflag:s0] =	ssyncset.done @p1 $0x0  }
0x246: {  	[sflag:s0] =	ssyncadd.s32 @p1 $0xFFFFFFC0;
	s0 =	sshll.u32 @p1 s3, $0x8  }
0x247: {  	s4 =	sshrl.u32 @p1 s0, $0x2;
	v1 =	vld @p1 [tilespmem:$0xA0C8]  }
0x248: {  	v2 =	vld @p1 [tilespmem:s4+$0xA138];
	_ =	sdelay $0x4  }
0x249: {  	v1 =	vmax.f32 @p1 v1, v2  }
0x24a: {  	v2 =	vld @p1 [tilespmem:s4+$0xA148];
	[tilespmem:s4+$0xA138] =	vst @p1 v1  }
0x24b: {  	v1 =	vld @p1 [tilespmem:$0xA0D8];
	_ =	sdelay $0x4  }
0x24c: {  	v1 =	vmax.f32 @p1 v1, v2  }
0x24d: {  	v2 =	vld @p1 [tilespmem:s4+$0xA158];
	[tilespmem:s4+$0xA148] =	vst @p1 v1  }
0x24e: {  	v1 =	vld @p1 [tilespmem:$0xA0E8];
	_ =	sdelay $0x4  }
0x24f: {  	v1 =	vmax.f32 @p1 v1, v2  }
0x250: {  	v2 =	vld @p1 [tilespmem:s4+$0xA168];
	[tilespmem:s4+$0xA158] =	vst @p1 v1  }
0x251: {  	v1 =	vld @p1 [tilespmem:$0xA0F8];
	_ =	sdelay $0x4  }
0x252: {  	s5 =	sshll.u32 @!p1 s3, $0x8;
	v1 =	vmax.f32 @p1 v1, v2  }
0x253: {  	s5 =	smov.u32 @p1 s0;
	[tilespmem:s4+$0xA168] =	vst @p1 v1  }
0x254: {  	s0 =	sshrl.u32 s5, $0x2;
	[tilespmem:s2+$0xA118] =	vst.msk $0x1, v0  }
0x255: {  	v0 =	vld [tilespmem:s0+$0xA138];
	_ =	sdelay $0x2  }
0x256: {  	s31 =	sshll.u32 s2, $0x8  }
0x257: {  	s4 =	sshra.s32 s31, $0x2  }
0x258: {  	[tilespmem:s4+$0xA138] =	vst v0  }
0x259: {  	v0 =	vld [tilespmem:s0+$0xA148];
	_ =	sdelay $0x4  }
0x25a: {  	[tilespmem:s4+$0xA148] =	vst v0  }
0x25b: {  	v0 =	vld [tilespmem:s0+$0xA158];
	_ =	sdelay $0x4  }
0x25c: {  	[tilespmem:s4+$0xA158] =	vst v0  }
0x25d: {  	v0 =	vld [tilespmem:s0+$0xA168];
	_ =	sdelay $0x4  }
0x25e: {  	s2 =	sadd.s32 $0x1, s2;
	[tilespmem:s4+$0xA168] =	vst v0  }
.LBB2_52:
0x25f: {  	s3 =	sadd.s32 $0x1, s3  }
0x260: {  	p1 =	sne.s32 s3, $0x20  }
.Ltmp34:
0x261: {  	_ = 	snop;
	(pc) =	sbr.rel @!p1 .LBB2_53-.Ltmp34, $1  }
0x262: {  	_ =	sdelay $0x3  }
.LBB2_45:
0x263: {  	v0 =	vld.msk [tilespmem:s3+$0xA118], $0x1;
	_ =	sdelay $0x4  }
0x264: {  	(v2sf) =	vpush v0, $0x0;
	_ =	sdelay $0xe  }
0x265: {  	s0 =	spop (v2sf)  }
0x266: {  	p1 =	seq.s32 s0, $0xFFFFFFFF  }
.Ltmp35:
0x267: {  	_ = 	snop;
	(pc) =	sbr.rel @p1 .LBB2_52-.Ltmp35, $1  }
0x268: {  	_ =	sdelay $0x3  }
0x269: {  	p1 =	slt.s32 s2, $0x1  }
.Ltmp36:
0x26a: {  	_ = 	snop;
	(pc) =	sbr.rel @p1 .LBB2_51-.Ltmp36, $1  }
0x26b: {  	_ =	sdelay $0x3  }
0x26c: {  	s4 =	simm.s32 $0xA118;
	p1 =	por $0x0, $0x0  }
0x26d: {  	v1 =	vld.msk @!p1 [tilespmem:s4+$0x0], $0x1;
	_ =	sdelay $0x4  }
0x26e: {  	(v2sf) =	vpush @!p1 v1, $0x0;
	_ =	sdelay $0xd  }
0x26f: {  	p3 =	sne.s32 s2, $0x1  }
.Ltmp37:
0x270: {  	s5 =	spop @!p1 (v2sf);
	(pc) =	sbr.rel @!p3 .LBB2_49-.Ltmp37, $4  }
0x271: {  	p2 =	seq.s32 @!p1 s0, s5  }
0x272: {  	s5 =	simm.s32 $0x0;
	p2 =	por !p2, p1  }
0x273: {  	s7 =	simm.s32 $0xFFFFFFFF;
	s5 =	simm.s32 @p2 $0xFFFFFFFF  }
0x274: {  	s6 =	simm.s32 $0x1;
	s5 =	smov.u32 @p1 s7  }
.LBB2_48:
0x275: {  	s7 =	smov.u32 s5;
	p1 =	sne.s32 s5, $0xFFFFFFFF  }
0x276: {  	s4 =	sadd.s32 $0x1, s4;
	s5 =	smov.u32 s6;
	s6 =	sadd.s32 $0x1, s6  }
0x277: {  	p2 =	sne.s32 s2, s6;
	v1 =	vld.msk @!p1 [tilespmem:s4+$0x0], $0x1;
	_ =	sdelay $0x4  }
0x278: {  	(v2sf) =	vpush @!p1 v1, $0x0;
	_ =	sdelay $0xe  }
.Ltmp38:
0x279: {  	s8 =	spop @!p1 (v2sf);
	(pc) =	sbr.rel @p2 .LBB2_48-.Ltmp38, $4  }
0x27a: {  	p3 =	seq.s32 @!p1 s0, s8  }
0x27b: {  	p3 =	por !p3, p1  }
0x27c: {  	s5 =	simm.s32 @p3 $0xFFFFFFFF  }
0x27d: {  	s5 =	smov.u32 @p1 s7  }
.LBB2_49:
0x27e: {  	p1 =	seq.s32 s5, $0xFFFFFFFF  }
.Ltmp39:
0x27f: {  	_ = 	snop;
	(pc) =	sbr.rel @p1 .LBB2_51-.Ltmp39, $1  }
0x280: {  	_ =	sdelay $0x3  }
0x281: {  	s0 =	sshll.u32 s3, $0x6  }
0x282: {  	s4 =	sshll.u32 s5, $0x8;
	s0 =	sand.u32 $0x3FFFFFC0, s0  }
0x283: {  	s4 =	sshra.s32 s4, $0x2;
	v0 =	vld [tilespmem:s0+$0xA138]  }
0x284: {  	v1 =	vld [tilespmem:s4+$0xA138];
	_ =	sdelay $0x4  }
0x285: {  	v0 =	vmax.f32 v0, v1  }
0x286: {  	v61 =	vld [tilespmem:s4+$0xA148];
	[tilespmem:s4+$0xA138] =	vst v0  }
0x287: {  	v0 =	vld [tilespmem:s0+$0xA148];
	_ =	sdelay $0x4  }
0x288: {  	v0 =	vmax.f32 v0, v61  }
0x289: {  	v62 =	vld [tilespmem:s4+$0xA158];
	[tilespmem:s4+$0xA148] =	vst v0  }
0x28a: {  	v0 =	vld [tilespmem:s0+$0xA158];
	_ =	sdelay $0x4  }
0x28b: {  	v0 =	vmax.f32 v0, v62  }
0x28c: {  	v63 =	vld [tilespmem:s4+$0xA168];
	[tilespmem:s4+$0xA158] =	vst v0  }
0x28d: {  	v0 =	vld [tilespmem:s0+$0xA168];
	_ =	sdelay $0x1  }
.Ltmp40:
0x28e: {  	_ = 	snop;
	(pc) =	sbr.rel .LBB2_52-.Ltmp40, $3  }
0x28f: {  	_ =	sdelay $0x1  }
0x290: {  	v0 =	vmax.f32 v0, v63  }
0x291: {  	[tilespmem:s4+$0xA168] =	vst v0  }
.LBB2_53:
0x292: {  	p1 =	slt.s32 s2, $0x1  }
.Ltmp41:
0x293: {  	_ = 	snop;
	(pc) =	sbr.rel @p1 .LBB2_57-.Ltmp41, $3  }
0x294: {  	_ =	sdelay $0x1  }
0x295: {  	s0 =	simm.s32 $0x8  }
0x296: {  	[sflag:s0] =	ssyncpa.u1 $0x1;
	s0 =	simm.s32 $0x0  }
0x297: {  	s3 =	simm.s32 $0xA118  }
0x298: {  	v0 =	vld.msk [tilespmem:s3+$0x0], $0x1;
	_ =	sdelay $0x4  }
0x299: {  	(v2sf) =	vpush v0, $0x0;
	_ =	sdelay $0xe  }
0x29a: {  	s2 =	sadd.s32 $0xFFFFFFFF, s2;
	s4 =	spop (v2sf)  }
0x29b: {  	p2 =	sne.s32 s2, $0x0;
	p1 =	sgt.u32 s4, $0xD6FF8  }
.Ltmp42:
0x29c: {  	s5 =	sand.u32 @!p1 $0xFFFF8, s4;
	(pc) =	sbr.rel @!p2 .LBB2_56-.Ltmp42, $4  }
0x29d: {  	s3 =	simm.s32 $0xA138;
	s4 =	sand.u32 @!p1 $0x7, s4;
	s5 =	sadd.s32 @!p1 s1, s5  }
0x29e: {  	[hbm4b:s5+s4] =	stream.linear.scatter @!p1 [tilespmem:s3], [sflag:$0x7], $0x40, $0x38;
	[tilespmem:$0x1EF88] =	vst v63  }
0x29f: {  	s5 =	simm.s32 $0x0  }
0x2a0: {  	s4 =	simm.s32 $0xA119;
	s5 =	simm.s32 @!p1 $0x100  }
.LBB2_55:
0x2a1: {  	v0 =	vld.msk [tilespmem:s4+$0x0], $0x1;
	s2 =	sadd.s32 $0xFFFFFFFF, s2;
	s0 =	sadd.s32 s0, s5  }
0x2a2: {  	p1 =	sne.s32 s2, $0x0;
	_ =	sdelay $0x3  }
0x2a3: {  	(v2sf) =	vpush v0, $0x0;
	_ =	sdelay $0xe  }
.Ltmp43:
0x2a4: {  	s6 =	spop (v2sf);
	(pc) =	sbr.rel @p1 .LBB2_55-.Ltmp43, $4  }
0x2a5: {  	s5 =	simm.s32 $0x0;
	p2 =	sgt.u32 s6, $0xD6FF8  }
0x2a6: {  	s3 =	sadd.s32 $0x40, s3;
	s5 =	simm.s32 @!p2 $0x100;
	s7 =	sand.u32 @!p2 $0xFFFF8, s6  }
0x2a7: {  	s4 =	sadd.s32 $0x1, s4;
	s6 =	sand.u32 @!p2 $0x7, s6;
	s7 =	sadd.s32 @!p2 s1, s7  }
0x2a8: {  	[hbm4b:s7+s6] =	stream.linear.scatter @!p2 [tilespmem:s3], [sflag:$0x7], $0x40, $0x38;
	[tilespmem:$0x1EF88] =	vst v63  }
.LBB2_56:
0x2a9: {  	s0 =	sadd.s32 s0, s5  }
0x2aa: {  	s0 =	sshrl.u32 s0, $0x2  }
.LBB2_57:
0x2ab: {  	s1 =	simm.s32 $0x7  }
0x2ac: {  	_ =	swait.ge [sflag:s1], s0  }
0x2ad: {  	s31 =	ssub.s32 $0x0, s0;
	[sflag:s1] =	ssyncset.done $0x0  }
0x2ae: {  	[sflag:s1] =	ssyncadd.s32 s31  }
0x2af: {  	[sflag:s1] =	ssyncpa.u1 $0x1  }
.LBB2_58:
0x2b0: {  	_ =	sfence;
	s0 =	simm.s32 $0x1  }
0x2b1: {  	[sflag:s0] =	ssyncpa.u1 $0x1  }
0x2b2: {  	_ =	strace $0x9000004A  }
0x2b3: {  	[bflag:$0x2] =	sbarrier.arrive $0xFFFF  }
0x2b4: {  	s0 =	rddreg [dreg:$0x4]  }
0x2b5: {  	s0 =	sadd.s32 @!p0 $0x100000, s0  }
0x2b6: {  	[sflag:s0] =	ssyncadd.tile.s32 @!p0 $0x1;
	_ =	shalt  }
.Lfunc_end2:
_tile_overlayer_lowered:
.L_overlay_start_2:
0x2b7: {  	(tag) =	ssettag $0x2  }
0x2b8: {  	s0 =	rddreg [dreg:$0x0];
	s2 =	stileid.u32  }
0x2b9: {  	s1 =	rddreg [dreg:$0x1];
	p0 =	sne.s32 s2, $0x0  }
0x2ba: {  	s3 =	rddreg [dreg:$0x2];
	[bflag:$0x3] =	sbarrier.arrive $0xFFFF;
	s2 =	simm.s32 @!p0 $0x1C01  }
0x2bb: {  	[timem:s3], [sflag:s2] =	dma.local @!p0 [hbm:s0], s1  }
0x2bc: {  	s0 =	simm.s32 @!p0 $0x1  }
0x2bd: {  	_ =	swait.ge @!p0 [sflag:s0], s1  }
0x2be: {  	s1 =	ssub.s32 @!p0 $0x0, s1;
	[sflag:s0] =	ssyncset.done @!p0 $0x0  }
0x2bf: {  	[sflag:s0] =	ssyncadd.s32 @!p0 s1  }
0x2c0: {  	[bflag:$0x3] =	sbarrier.arrive $0xFFFF  }
0x2c1: {  	_ =	shalt  }

// kernel: scatter_offload_async_start
scs
__scs_entry_jumppad:
0x0: {  	(pc) =	sbr.rel $0x88, $3  }
0x1: {  	(tag) =	ssettag $0x0;
	lr =	simm.s32 $0x1  }
0x2: {  	[smem:$0x3F9D] =	sst lr;
	_ =	strace $0xD0000000  }
0x3: {  	_ = 	snop  }
0x4: {  	_ = 	snop  }
0x5: {  	_ = 	snop  }
0x6: {  	_ = 	snop  }
0x7: {  	_ = 	snop  }
__scs_overlays_trampoline_lowered:
0x8: {  	[smem:$0x3FAC] =	sst s0  }
0x9: {  	[smem:$0x3FAD] =	sst s1  }
0xa: {  	[smem:$0x3FAE] =	sst s2  }
0xb: {  	[smem:$0x3FAF] =	sst s3  }
0xc: {  	[smem:$0x3FB0] =	sst s4  }
0xd: {  	[smem:$0x3FB1] =	sst s5  }
0xe: {  	[smem:$0x3FB2] =	sst s6  }
0xf: {  	[smem:$0x3FB3] =	sst s7  }
0x10: {  	[smem:$0x3FB4] =	sst s8  }
0x11: {  	[smem:$0x3FB5] =	sst s9;
	s0 =	simm.s32 @!p0 $0x0  }
0x12: {  	s1 =	sld [smem:$0x3F9B];
	s0 =	simm.s32 @p0 $0x1  }
0x13: {  	[smem:$0x3FB6] =	sst s0;
	s0 =	simm.s32 @!p1 $0x0  }
0x14: {  	s2 =	sld [smem:$0x3F9A];
	s0 =	simm.s32 @p1 $0x1  }
0x15: {  	[smem:$0x3FB7] =	sst s0;
	s0 =	simm.s32 @!p2 $0x0  }
0x16: {  	s3 =	sld [smem:$0x3FDB];
	s0 =	simm.s32 @p2 $0x1  }
0x17: {  	s4 =	simm.s32 $0x1BF5;
	[smem:$0x3FB9] =	sst s0  }
0x18: {  	s0 =	sld [smem:$0x3F9C];
	_ =	swait.ge [sflag:s4], $0x0  }
0x19: {  	s7 =	sld [smem:$0x3F9D]  }
0x1a: {  	s8 =	sadd.s32 $0xFFFFE003, lr  }
0x1b: {  	s9 =	sadd.s32 $0xFFFFFEF7, lr;
	s5 =	simm.s32 $0xFFFFFFFF;
	p2 =	slt.u32 s8, $0xFFFFF086  }
0x1c: {  	p1 =	slt.u32 s9, $0xF7A;
	s5 =	simm.s32 @!p2 $0x0  }
0x1d: {  	s5 =	simm.s32 @p1 $0x1;
	p0 =	seq.s32 s7, s2  }
0x1e: {  	s7 =	smul.u32 @!p0 $0xF7A, s2;
	p2 =	seq.s32 @!p0 s5, $0x0  }
0x1f: {  	s9 =	smul.u32 $0xF7A, s1;
	s8 =	simm.s32 @!p0 $0x1BF5;
	p2 =	por !p2, p0  }
0x20: {  	[sflag:s8] =	ssyncset.s32 @!p0 $0xFFFFF086;
	s6 =	sadd.s32 @!p0 s3, s7;
	s7 =	simm.s32 @!p0 $0x108  }
0x21: {  	s3 =	sadd.s32 s3, s9;
	s6 =	sadd.s32 @!p0 $0x88, s6;
	s7 =	simm.s32 @p2 $0x1082  }
0x22: {  	[simem:s7], [sflag:s8] =	dma.local @!p0 [hbm:s6], $0xF7A  }
0x23: {  	s9 =	sor.u32 $0xD0000000, s2;
	s6 =	simm.s32 $0x108;
	_ =	swait.ge @!p0 [sflag:s8], $0x0  }
0x24: {  	s3 =	sadd.s32 $0x88, s3;
	s6 =	simm.s32 @!p1 $0x1082;
	[sflag:s4] =	ssyncset.s32 $0xFFFFF086  }
0x25: {  	[simem:s6], [sflag:s4] =	dma.local [hbm:s3], $0xF7A  }
0x26: {  	[smem:$0x3F9D] =	sst s1;
	(tag) =	ssettag s2;
	_ =	strace s9  }
0x27: {  	s1 =	sld [smem:$0x3FAD]  }
0x28: {  	s2 =	sld [smem:$0x3FAE]  }
0x29: {  	s4 =	sld [smem:$0x3FB0]  }
0x2a: {  	p0 =	seq.s32 s5, $0x0;
	s5 =	sld [smem:$0x3FB1]  }
0x2b: {  	s6 =	sld [smem:$0x3FB2]  }
0x2c: {  	s7 =	sld [smem:$0x3FB3]  }
0x2d: {  	s3 =	simm.s32 $0x108;
	s8 =	sld [smem:$0x3FB4]  }
0x2e: {  	s3 =	simm.s32 @!p0 $0x1082;
	s9 =	sld [smem:$0x3FB5]  }
0x2f: {  	lr =	sadd.s32 s0, s3;
	s0 =	sld [smem:$0x3FAC]  }
0x30: {  	s3 =	sld [smem:$0x3FAF]  }
0x31: {  	[smem:$0x3FB8] =	sst s10  }
0x32: {  	s10 =	sld [smem:$0x3FB6];
	_ =	sdelay $0x3  }
0x33: {  	p0 =	seq.s32 s10, $0x1;
	s10 =	sld [smem:$0x3FB8];
	_ =	sdelay $0x3  }
0x34: {  	[smem:$0x3FB8] =	sst s10  }
0x35: {  	s10 =	sld [smem:$0x3FB7];
	_ =	sdelay $0x3  }
0x36: {  	p1 =	seq.s32 s10, $0x1;
	s10 =	sld [smem:$0x3FB8];
	_ =	sdelay $0x3  }
0x37: {  	[smem:$0x3FB8] =	sst s10  }
0x38: {  	s10 =	sld [smem:$0x3FB9]  }
0x39: {  	_ = 	snop;
	(pc) =	sbr.ind lr, $3  }
0x3a: {  	_ = 	snop  }
0x3b: {  	_ = 	snop  }
0x3c: {  	p2 =	seq.s32 s10, $0x1;
	s10 =	sld [smem:$0x3FB8]  }
0x3d: {  	_ =	shalt  }
0x3e: {  	_ =	shalt  }
0x3f: {  	_ =	shalt  }
0x40: {  	_ =	shalt  }
0x41: {  	_ =	shalt  }
0x42: {  	_ =	shalt  }
0x43: {  	_ =	shalt  }
0x44: {  	_ =	shalt  }
0x45: {  	_ =	shalt  }
0x46: {  	_ =	shalt  }
0x47: {  	_ =	shalt  }
0x48: {  	_ =	shalt  }
0x49: {  	_ =	shalt  }
0x4a: {  	_ =	shalt  }
0x4b: {  	_ =	shalt  }
0x4c: {  	_ =	shalt  }
0x4d: {  	_ =	shalt  }
0x4e: {  	_ =	shalt  }
0x4f: {  	_ =	shalt  }
0x50: {  	_ =	shalt  }
0x51: {  	_ =	shalt  }
0x52: {  	_ =	shalt  }
0x53: {  	_ =	shalt  }
0x54: {  	_ =	shalt  }
0x55: {  	_ =	shalt  }
0x56: {  	_ =	shalt  }
0x57: {  	_ =	shalt  }
0x58: {  	_ =	shalt  }
0x59: {  	_ =	shalt  }
0x5a: {  	_ =	shalt  }
0x5b: {  	_ =	shalt  }
0x5c: {  	_ =	shalt  }
0x5d: {  	_ =	shalt  }
0x5e: {  	_ =	shalt  }
0x5f: {  	_ =	shalt  }
0x60: {  	_ =	shalt  }
0x61: {  	_ =	shalt  }
0x62: {  	_ =	shalt  }
0x63: {  	_ =	shalt  }
0x64: {  	_ =	shalt  }
0x65: {  	_ =	shalt  }
0x66: {  	_ =	shalt  }
0x67: {  	_ =	shalt  }
0x68: {  	_ =	shalt  }
0x69: {  	_ =	shalt  }
0x6a: {  	_ =	shalt  }
0x6b: {  	_ =	shalt  }
0x6c: {  	_ =	shalt  }
0x6d: {  	_ =	shalt  }
0x6e: {  	_ =	shalt  }
0x6f: {  	_ =	shalt  }
0x70: {  	_ =	shalt  }
0x71: {  	_ =	shalt  }
0x72: {  	_ =	shalt  }
0x73: {  	_ =	shalt  }
0x74: {  	_ =	shalt  }
0x75: {  	_ =	shalt  }
0x76: {  	_ =	shalt  }
0x77: {  	_ =	shalt  }
0x78: {  	_ =	shalt  }
0x79: {  	_ =	shalt  }
0x7a: {  	_ =	shalt  }
0x7b: {  	_ =	shalt  }
0x7c: {  	_ =	shalt  }
0x7d: {  	_ =	shalt  }
0x7e: {  	_ =	shalt  }
0x7f: {  	_ =	shalt  }
0x80: {  	_ =	shalt  }
0x81: {  	_ =	shalt  }
0x82: {  	_ =	shalt  }
0x83: {  	_ =	shalt  }
0x84: {  	_ =	shalt  }
0x85: {  	_ =	shalt  }
0x86: {  	_ =	shalt  }
0x87: {  	_ =	shalt  }
.Lfunc_end0:
.L_simem_size_0:
called_computation_lowered:
.L_overlay_start_0:
0x88: {  	s2 =	sld [smem:$0x3FD9]  }
0x89: {  	s3 =	sld [smem:$0x3FFE];
	_ =	sdelay $0x1  }
0x8a: {  	s1 =	srdreg.scid  }
0x8b: {  	s0 =	sand.u32 $0x1, s1  }
0x8c: {  	s16 =	sshll.u32 s0, $0xA;
	s2 =	sadd.s32 s3, s2  }
0x8d: {  	s2 =	sadd.s32 s2, s16  }
0x8e: {  	[smem:$0x3FC4] =	sst s2  }
0x8f: {  	_ = 	snop  }
0x90: {  	s2 =	sld [smem:$0x3FD0];
	(tm) =	ssettm $0x1  }
0x91: {  	s17 =	sld [smem:$0x3FFB];
	_ =	sdelay $0x3  }
0x92: {  	_ =	strace s17  }
0x93: {  	s3 =	sld [smem:$0x3FFC];
	_ =	sdelay $0x3  }
0x94: {  	_ =	strace s3  }
0x95: {  	s3 =	sld [smem:$0x3FFD];
	_ =	sdelay $0x3  }
0x96: {  	_ =	strace s3  }
0x97: {  	_ =	strace $0x8FFFFFFF  }
0x98: {  	s18 =	sld [smem:$0x3FDB];
	_ =	sdelay $0x1  }
0x99: {  	s4 =	simm.s32 $_scs_section_size  }
0x9a: {  	s5 =	simm.s32 $_size__tile_overlayer_lowered;
	s6 =	simm.s32 $_tile_overlayer_lowered  }
0x9b: {  	s21 =	simm.s32 $0x1BFF;
	s20 =	sshll.u32 s6, $0x1;
	s3 =	sadd.s32 s4, s18  }
0x9c: {  	s7 =	simm.s32 $0x0;
	s19 =	sshll.u32 s5, $0x1;
	s5 =	sadd.s32 s20, s3  }
0x9d: {  	[timem:s7], [sflag:s21] =	dma.local [hbm:s5], s19  }
0x9e: {  	_ =	swait.ge [sflag:s21], s19  }
0x9f: {  	s4 =	ssub.s32 $0x0, s19;
	[sflag:s21] =	ssyncset.done $0x0  }
0xa0: {  	[sflag:s21] =	ssyncadd.s32 s4;
	_ =	sdelay $0x1  }
0xa1: {  	s22 =	simm.s32 $0x1B8B  }
0xa2: {  	_ =	swait.ge [sflag:s22], $0x1  }
0xa3: {  	[sflag:s22] =	ssyncset.done $0x0  }
0xa4: {  	s23 =	sld [smem:$0x3FFE];
	[sflag:s22] =	ssyncadd.s32 $0xFFFFFFFF  }
0xa5: {  	s25 =	simm.s32 $0x1B8E;
	s24 =	sld [smem:$0x0]  }
0xa6: {  	s26 =	simm.s32 $execute0_lowered;
	[smem:$0x3FD2] =	sst s25  }
0xa7: {  	s6 =	sshll.u32 s26, $0x1;
	_ =	strace $0x80000046;
	[dreg:$0x1] =	wrdreg $0xFFFFFFFF  }
0xa8: {  	s28 =	simm.s32 $_size_execute0_lowered;
	s3 =	sadd.s32 s3, s6;
	[dreg:$0x0] =	wrdreg $0x0  }
0xa9: {  	s6 =	sshll.u32 s28, $0x1;
	[dreg:$0x2] =	wrdreg s3  }
0xaa: {  	[dreg:$0x3] =	wrdreg s6  }
0xab: {  	[dreg:$0x4] =	wrdreg $0xC0  }
0xac: {  	_ =	task [dreg:s7], $0x5FFFF  }
0xad: {  	[dreg:$0x1] =	wrdreg $0xFFFFFFFF  }
0xae: {  	[dreg:$0x0] =	wrdreg $0x60  }
0xaf: {  	[dreg:$0x2] =	wrdreg s23  }
0xb0: {  	[dreg:$0x3] =	wrdreg s2  }
0xb1: {  	[dreg:$0x4] =	wrdreg s1  }
0xb2: {  	[dreg:$0x5] =	wrdreg s24  }
0xb3: {  	[dreg:$0x6] =	wrdreg $0x9  }
0xb4: {  	_ =	task.clear_ibuf [dreg:s7], $0x7FFFF;
	_ =	strace $0x90000046  }
0xb5: {  	s29 =	simm.s32 $0x9;
	_ =	strace $0x80000048  }
0xb6: {  	_ =	swait.ge [sflag:s29], $0x1  }
0xb7: {  	[sflag:s29] =	ssyncadd.s32 $0xFFFFFFFF  }
0xb8: {  	_ =	strace $0x90000048  }
0xb9: {  	_ =	sfence  }
0xba: {  	s30 =	sld [smem:$0x0];
	_ =	sdelay $0x2  }
0xbb: {  	s31 =	sshll.u32 s1, $0xD;
	s1 =	sshrl.u32 s1, $0x2  }
0xbc: {  	s3 =	sand.u32 $0x4000, s31;
	s1 =	sadd.s32 s1, s30  }
0xbd: {  	s0 =	sor.u32 s3, s0;
	s1 =	sshll.u32 s1, $0x11  }
0xbe: {  	s0 =	sor.u32 s1, s0  }
0xbf: {  	s0 =	sadd.s32 $0x8F2B, s0  }
0xc0: {  	[sflag:s0] =	ssyncadd.remote.s32 $0x1  }
0xc1: {  	_ =	sfence.sel $0xFFFF  }
0xc2: {  	[dreg:$0x0] =	wrdreg $0xFFFFFFFF;
	(pc) =	sbr.abs _section_cstart, $3  }
0xc3: {  	[dreg:$0x1] =	wrdreg $0xFFFFFFFF  }
0xc4: {  	_ =	task.clear_ibuf [dreg:s7], $0x2FFFF;
	_ =	strace $0x9FFFFFFF  }
0xc5: {  	(tm) =	ssettm $0x7FFFFFFF  }
tec
execute0_lowered:
.L_overlay_start_1:
0x0: {  	(tag) =	ssettag $0x1  }
0x1: {  	s13 =	rddreg [dreg:$0x0]  }
0x2: {  	s14 =	rddreg [dreg:$0x1]  }
0x3: {  	s4 =	rddreg [dreg:$0x2];
	_ =	strace $0x80000047;
	s12 =	simm.s32 $0x1  }
0x4: {  	v0 =	vimm.s32 $0x0;
	[sflag:s12] =	ssyncpa.u1 $0x0  }
0x5: {  	[tilespmem:$0x28] =	vst v0  }
0x6: {  	[tilespmem:$0x38] =	vst v0  }
0x7: {  	[tilespmem:$0x48] =	vst v0  }
0x8: {  	[tilespmem:$0x58] =	vst v0  }
0x9: {  	[tilespmem:$0x68] =	vst v0  }
0xa: {  	[tilespmem:$0x78] =	vst v0  }
0xb: {  	[tilespmem:$0x88] =	vst v0  }
0xc: {  	[tilespmem:$0x98] =	vst v0  }
0xd: {  	[tilespmem:$0xA8] =	vst v0  }
0xe: {  	[tilespmem:$0xB8] =	vst v0  }
0xf: {  	[tilespmem:$0xC8] =	vst v0  }
0x10: {  	[tilespmem:$0xD8] =	vst v0  }
0x11: {  	[tilespmem:$0xE8] =	vst v0  }
0x12: {  	[tilespmem:$0xF8] =	vst v0  }
0x13: {  	[tilespmem:$0x108] =	vst v0  }
0x14: {  	[tilespmem:$0x118] =	vst v0  }
0x15: {  	[tilespmem:$0x128] =	vst v0  }
0x16: {  	[tilespmem:$0x138] =	vst v0  }
0x17: {  	[tilespmem:$0x148] =	vst v0  }
0x18: {  	[tilespmem:$0x158] =	vst v0  }
0x19: {  	[tilespmem:$0x168] =	vst v0  }
0x1a: {  	[tilespmem:$0x178] =	vst v0  }
0x1b: {  	[tilespmem:$0x188] =	vst v0  }
0x1c: {  	[tilespmem:$0x198] =	vst v0  }
0x1d: {  	[tilespmem:$0x1A8] =	vst v0  }
0x1e: {  	[tilespmem:$0x1B8] =	vst v0  }
0x1f: {  	[tilespmem:$0x1C8] =	vst v0  }
0x20: {  	[tilespmem:$0x1D8] =	vst v0  }
0x21: {  	[tilespmem:$0x1E8] =	vst v0  }
0x22: {  	[tilespmem:$0x1F8] =	vst v0  }
0x23: {  	[tilespmem:$0x208] =	vst v0  }
0x24: {  	[tilespmem:$0x218] =	vst v0  }
0x25: {  	[tilespmem:$0x228] =	vst v0  }
0x26: {  	[tilespmem:$0x238] =	vst v0  }
0x27: {  	[tilespmem:$0x248] =	vst v0  }
0x28: {  	[tilespmem:$0x258] =	vst v0  }
0x29: {  	[tilespmem:$0x268] =	vst v0  }
0x2a: {  	[tilespmem:$0x278] =	vst v0  }
0x2b: {  	[tilespmem:$0x288] =	vst v0  }
0x2c: {  	[tilespmem:$0x298] =	vst v0  }
0x2d: {  	[tilespmem:$0x2A8] =	vst v0  }
0x2e: {  	[tilespmem:$0x2B8] =	vst v0  }
0x2f: {  	[tilespmem:$0x2C8] =	vst v0  }
0x30: {  	[tilespmem:$0x2D8] =	vst v0  }
0x31: {  	[tilespmem:$0x2E8] =	vst v0  }
0x32: {  	[tilespmem:$0x2F8] =	vst v0  }
0x33: {  	[tilespmem:$0x308] =	vst v0  }
0x34: {  	[tilespmem:$0x318] =	vst v0  }
0x35: {  	[tilespmem:$0x328] =	vst v0  }
0x36: {  	[tilespmem:$0x338] =	vst v0  }
0x37: {  	[tilespmem:$0x348] =	vst v0  }
0x38: {  	[tilespmem:$0x358] =	vst v0  }
0x39: {  	[tilespmem:$0x368] =	vst v0  }
0x3a: {  	[tilespmem:$0x378] =	vst v0  }
0x3b: {  	[tilespmem:$0x388] =	vst v0  }
0x3c: {  	[tilespmem:$0x398] =	vst v0  }
0x3d: {  	[tilespmem:$0x3A8] =	vst v0  }
0x3e: {  	[tilespmem:$0x3B8] =	vst v0  }
0x3f: {  	[tilespmem:$0x3C8] =	vst v0  }
0x40: {  	[tilespmem:$0x3D8] =	vst v0  }
0x41: {  	[tilespmem:$0x3E8] =	vst v0  }
0x42: {  	[tilespmem:$0x3F8] =	vst v0  }
0x43: {  	[tilespmem:$0x408] =	vst v0  }
0x44: {  	[tilespmem:$0x418] =	vst v0  }
0x45: {  	[tilespmem:$0x428] =	vst v0  }
0x46: {  	[tilespmem:$0x438] =	vst v0  }
0x47: {  	[tilespmem:$0x448] =	vst v0  }
0x48: {  	[tilespmem:$0x458] =	vst v0  }
0x49: {  	[tilespmem:$0x468] =	vst v0  }
0x4a: {  	[tilespmem:$0x478] =	vst v0  }
0x4b: {  	[tilespmem:$0x488] =	vst v0  }
0x4c: {  	[tilespmem:$0x498] =	vst v0  }
0x4d: {  	[tilespmem:$0x4A8] =	vst v0  }
0x4e: {  	[tilespmem:$0x4B8] =	vst v0  }
0x4f: {  	[tilespmem:$0x4C8] =	vst v0  }
0x50: {  	[tilespmem:$0x4D8] =	vst v0  }
0x51: {  	[tilespmem:$0x4E8] =	vst v0  }
0x52: {  	[tilespmem:$0x4F8] =	vst v0  }
0x53: {  	[tilespmem:$0x508] =	vst v0  }
0x54: {  	[tilespmem:$0x518] =	vst v0  }
0x55: {  	[tilespmem:$0x528] =	vst v0  }
0x56: {  	[tilespmem:$0x538] =	vst v0  }
0x57: {  	[tilespmem:$0x548] =	vst v0  }
0x58: {  	[tilespmem:$0x558] =	vst v0  }
0x59: {  	[tilespmem:$0x568] =	vst v0  }
0x5a: {  	[tilespmem:$0x578] =	vst v0  }
0x5b: {  	[tilespmem:$0x588] =	vst v0  }
0x5c: {  	[tilespmem:$0x598] =	vst v0  }
0x5d: {  	[tilespmem:$0x5A8] =	vst v0  }
0x5e: {  	[tilespmem:$0x5B8] =	vst v0  }
0x5f: {  	[tilespmem:$0x5C8] =	vst v0  }
0x60: {  	[tilespmem:$0x5D8] =	vst v0  }
0x61: {  	[tilespmem:$0x5E8] =	vst v0  }
0x62: {  	[tilespmem:$0x5F8] =	vst v0  }
0x63: {  	[tilespmem:$0x608] =	vst v0  }
0x64: {  	[tilespmem:$0x618] =	vst v0  }
0x65: {  	[tilespmem:$0x628] =	vst v0  }
0x66: {  	[tilespmem:$0x638] =	vst v0  }
0x67: {  	[tilespmem:$0x648] =	vst v0  }
0x68: {  	[tilespmem:$0x658] =	vst v0  }
0x69: {  	[tilespmem:$0x668] =	vst v0  }
0x6a: {  	[tilespmem:$0x678] =	vst v0  }
0x6b: {  	[tilespmem:$0x688] =	vst v0  }
0x6c: {  	[tilespmem:$0x698] =	vst v0  }
0x6d: {  	[tilespmem:$0x6A8] =	vst v0  }
0x6e: {  	[tilespmem:$0x6B8] =	vst v0  }
0x6f: {  	[tilespmem:$0x6C8] =	vst v0  }
0x70: {  	[tilespmem:$0x6D8] =	vst v0  }
0x71: {  	[tilespmem:$0x6E8] =	vst v0  }
0x72: {  	[tilespmem:$0x6F8] =	vst v0  }
0x73: {  	[tilespmem:$0x708] =	vst v0  }
0x74: {  	[tilespmem:$0x718] =	vst v0  }
0x75: {  	[tilespmem:$0x728] =	vst v0  }
0x76: {  	[tilespmem:$0x738] =	vst v0  }
0x77: {  	[tilespmem:$0x748] =	vst v0  }
0x78: {  	[tilespmem:$0x758] =	vst v0  }
0x79: {  	[tilespmem:$0x768] =	vst v0  }
0x7a: {  	[tilespmem:$0x778] =	vst v0  }
0x7b: {  	[tilespmem:$0x788] =	vst v0  }
0x7c: {  	[tilespmem:$0x798] =	vst v0  }
0x7d: {  	[tilespmem:$0x7A8] =	vst v0  }
0x7e: {  	[tilespmem:$0x7B8] =	vst v0  }
0x7f: {  	[tilespmem:$0x7C8] =	vst v0  }
0x80: {  	[tilespmem:$0x7D8] =	vst v0  }
0x81: {  	[tilespmem:$0x7E8] =	vst v0  }
0x82: {  	[tilespmem:$0x7F8] =	vst v0  }
0x83: {  	[tilespmem:$0x808] =	vst v0  }
0x84: {  	[tilespmem:$0x818] =	vst v0  }
0x85: {  	[tilespmem:$0x828] =	vst v0  }
0x86: {  	[tilespmem:$0x838] =	vst v0  }
0x87: {  	[tilespmem:$0x848] =	vst v0  }
0x88: {  	[tilespmem:$0x858] =	vst v0  }
0x89: {  	[tilespmem:$0x868] =	vst v0  }
0x8a: {  	[tilespmem:$0x878] =	vst v0  }
0x8b: {  	[tilespmem:$0x888] =	vst v0  }
0x8c: {  	[tilespmem:$0x898] =	vst v0  }
0x8d: {  	[tilespmem:$0x8A8] =	vst v0  }
0x8e: {  	[tilespmem:$0x8B8] =	vst v0  }
0x8f: {  	[tilespmem:$0x8C8] =	vst v0  }
0x90: {  	[tilespmem:$0x8D8] =	vst v0  }
0x91: {  	[tilespmem:$0x8E8] =	vst v0  }
0x92: {  	[tilespmem:$0x8F8] =	vst v0  }
0x93: {  	[tilespmem:$0x908] =	vst v0  }
0x94: {  	[tilespmem:$0x918] =	vst v0  }
0x95: {  	[tilespmem:$0x928] =	vst v0  }
0x96: {  	[tilespmem:$0x938] =	vst v0  }
0x97: {  	[tilespmem:$0x948] =	vst v0  }
0x98: {  	[tilespmem:$0x958] =	vst v0  }
0x99: {  	[tilespmem:$0x968] =	vst v0  }
0x9a: {  	[tilespmem:$0x978] =	vst v0  }
0x9b: {  	[tilespmem:$0x988] =	vst v0  }
0x9c: {  	[tilespmem:$0x998] =	vst v0  }
0x9d: {  	[tilespmem:$0x9A8] =	vst v0  }
0x9e: {  	[tilespmem:$0x9B8] =	vst v0  }
0x9f: {  	[tilespmem:$0x9C8] =	vst v0  }
0xa0: {  	[tilespmem:$0x9D8] =	vst v0  }
0xa1: {  	[tilespmem:$0x9E8] =	vst v0  }
0xa2: {  	[tilespmem:$0x9F8] =	vst v0  }
0xa3: {  	[tilespmem:$0xA08] =	vst v0  }
0xa4: {  	[tilespmem:$0xA18] =	vst v0  }
0xa5: {  	[tilespmem:$0xA28] =	vst v0  }
0xa6: {  	[tilespmem:$0xA38] =	vst v0  }
0xa7: {  	[tilespmem:$0xA48] =	vst v0  }
0xa8: {  	[tilespmem:$0xA58] =	vst v0  }
0xa9: {  	[tilespmem:$0xA68] =	vst v0  }
0xaa: {  	[tilespmem:$0xA78] =	vst v0  }
0xab: {  	[tilespmem:$0xA88] =	vst v0  }
0xac: {  	[tilespmem:$0xA98] =	vst v0  }
0xad: {  	[tilespmem:$0xAA8] =	vst v0  }
0xae: {  	[tilespmem:$0xAB8] =	vst v0  }
0xaf: {  	[tilespmem:$0xAC8] =	vst v0  }
0xb0: {  	[tilespmem:$0xAD8] =	vst v0  }
0xb1: {  	[tilespmem:$0xAE8] =	vst v0  }
0xb2: {  	[tilespmem:$0xAF8] =	vst v0  }
0xb3: {  	[tilespmem:$0xB08] =	vst v0  }
0xb4: {  	[tilespmem:$0xB18] =	vst v0  }
0xb5: {  	[tilespmem:$0xB28] =	vst v0  }
0xb6: {  	[tilespmem:$0xB38] =	vst v0  }
0xb7: {  	[tilespmem:$0xB48] =	vst v0  }
0xb8: {  	[tilespmem:$0xB58] =	vst v0  }
0xb9: {  	[tilespmem:$0xB68] =	vst v0  }
0xba: {  	[tilespmem:$0xB78] =	vst v0  }
0xbb: {  	[tilespmem:$0xB88] =	vst v0  }
0xbc: {  	[tilespmem:$0xB98] =	vst v0  }
0xbd: {  	[tilespmem:$0xBA8] =	vst v0  }
0xbe: {  	[tilespmem:$0xBB8] =	vst v0  }
0xbf: {  	[tilespmem:$0xBC8] =	vst v0  }
0xc0: {  	[tilespmem:$0xBD8] =	vst v0  }
0xc1: {  	[tilespmem:$0xBE8] =	vst v0  }
0xc2: {  	[tilespmem:$0xBF8] =	vst v0  }
0xc3: {  	[tilespmem:$0xC08] =	vst v0  }
0xc4: {  	[tilespmem:$0xC18] =	vst v0  }
0xc5: {  	[tilespmem:$0xC28] =	vst v0  }
0xc6: {  	[tilespmem:$0xC38] =	vst v0  }
0xc7: {  	[tilespmem:$0xC48] =	vst v0  }
0xc8: {  	[tilespmem:$0xC58] =	vst v0  }
0xc9: {  	[tilespmem:$0xC68] =	vst v0  }
0xca: {  	[tilespmem:$0xC78] =	vst v0  }
0xcb: {  	[tilespmem:$0xC88] =	vst v0  }
0xcc: {  	[tilespmem:$0xC98] =	vst v0  }
0xcd: {  	[tilespmem:$0xCA8] =	vst v0  }
0xce: {  	[tilespmem:$0xCB8] =	vst v0  }
0xcf: {  	[tilespmem:$0xCC8] =	vst v0  }
0xd0: {  	[tilespmem:$0xCD8] =	vst v0  }
0xd1: {  	[tilespmem:$0xCE8] =	vst v0  }
0xd2: {  	[tilespmem:$0xCF8] =	vst v0  }
0xd3: {  	[tilespmem:$0xD08] =	vst v0  }
0xd4: {  	[tilespmem:$0xD18] =	vst v0  }
0xd5: {  	[tilespmem:$0xD28] =	vst v0  }
0xd6: {  	[tilespmem:$0xD38] =	vst v0  }
0xd7: {  	[tilespmem:$0xD48] =	vst v0  }
0xd8: {  	[tilespmem:$0xD58] =	vst v0  }
0xd9: {  	[tilespmem:$0xD68] =	vst v0  }
0xda: {  	[tilespmem:$0xD78] =	vst v0  }
0xdb: {  	[tilespmem:$0xD88] =	vst v0  }
0xdc: {  	[tilespmem:$0xD98] =	vst v0  }
0xdd: {  	[tilespmem:$0xDA8] =	vst v0  }
0xde: {  	[tilespmem:$0xDB8] =	vst v0  }
0xdf: {  	[tilespmem:$0xDC8] =	vst v0  }
0xe0: {  	[tilespmem:$0xDD8] =	vst v0  }
0xe1: {  	[tilespmem:$0xDE8] =	vst v0  }
0xe2: {  	[tilespmem:$0xDF8] =	vst v0  }
0xe3: {  	[tilespmem:$0xE08] =	vst v0  }
0xe4: {  	[tilespmem:$0xE18] =	vst v0  }
0xe5: {  	[tilespmem:$0xE28] =	vst v0  }
0xe6: {  	[tilespmem:$0xE38] =	vst v0  }
0xe7: {  	[tilespmem:$0xE48] =	vst v0  }
0xe8: {  	[tilespmem:$0xE58] =	vst v0  }
0xe9: {  	[tilespmem:$0xE68] =	vst v0  }
0xea: {  	[tilespmem:$0xE78] =	vst v0  }
0xeb: {  	[tilespmem:$0xE88] =	vst v0  }
0xec: {  	[tilespmem:$0xE98] =	vst v0  }
0xed: {  	[tilespmem:$0xEA8] =	vst v0  }
0xee: {  	[tilespmem:$0xEB8] =	vst v0  }
0xef: {  	[tilespmem:$0xEC8] =	vst v0  }
0xf0: {  	[tilespmem:$0xED8] =	vst v0  }
0xf1: {  	[tilespmem:$0xEE8] =	vst v0  }
0xf2: {  	[tilespmem:$0xEF8] =	vst v0  }
0xf3: {  	[tilespmem:$0xF08] =	vst v0  }
0xf4: {  	[tilespmem:$0xF18] =	vst v0  }
0xf5: {  	[tilespmem:$0xF28] =	vst v0  }
0xf6: {  	[tilespmem:$0xF38] =	vst v0  }
0xf7: {  	[tilespmem:$0xF48] =	vst v0  }
0xf8: {  	[tilespmem:$0xF58] =	vst v0  }
0xf9: {  	[tilespmem:$0xF68] =	vst v0  }
0xfa: {  	[tilespmem:$0xF78] =	vst v0  }
0xfb: {  	[tilespmem:$0xF88] =	vst v0  }
0xfc: {  	[tilespmem:$0xF98] =	vst v0  }
0xfd: {  	[tilespmem:$0xFA8] =	vst v0  }
0xfe: {  	[tilespmem:$0xFB8] =	vst v0  }
0xff: {  	[tilespmem:$0xFC8] =	vst v0  }
0x100: {  	[tilespmem:$0xFD8] =	vst v0  }
0x101: {  	[tilespmem:$0xFE8] =	vst v0  }
0x102: {  	[tilespmem:$0xFF8] =	vst v0  }
0x103: {  	[tilespmem:$0x1008] =	vst v0  }
0x104: {  	[tilespmem:$0x10C8] =	vst v0  }
0x105: {  	[tilespmem:$0x1B28] =	vst v0  }
0x106: {  	[tilespmem:$0x1B18] =	vst v0  }
0x107: {  	[tilespmem:$0x1B08] =	vst v0  }
0x108: {  	[tilespmem:$0x1AF8] =	vst v0  }
0x109: {  	[tilespmem:$0x1AE8] =	vst v0  }
0x10a: {  	[tilespmem:$0x1AD8] =	vst v0  }
0x10b: {  	[tilespmem:$0x1AC8] =	vst v0  }
0x10c: {  	[tilespmem:$0x1AB8] =	vst v0  }
0x10d: {  	[tilespmem:$0x1AA8] =	vst v0  }
0x10e: {  	[tilespmem:$0x1A98] =	vst v0  }
0x10f: {  	[tilespmem:$0x1A88] =	vst v0  }
0x110: {  	[tilespmem:$0x1A78] =	vst v0  }
0x111: {  	[tilespmem:$0x1A68] =	vst v0  }
0x112: {  	[tilespmem:$0x1A58] =	vst v0  }
0x113: {  	[tilespmem:$0x1A48] =	vst v0  }
0x114: {  	[tilespmem:$0x1A38] =	vst v0  }
0x115: {  	[tilespmem:$0x1A28] =	vst v0  }
0x116: {  	[tilespmem:$0x1A18] =	vst v0  }
0x117: {  	[tilespmem:$0x1A08] =	vst v0  }
0x118: {  	[tilespmem:$0x19F8] =	vst v0  }
0x119: {  	[tilespmem:$0x19E8] =	vst v0  }
0x11a: {  	[tilespmem:$0x19D8] =	vst v0  }
0x11b: {  	[tilespmem:$0x19C8] =	vst v0  }
0x11c: {  	[tilespmem:$0x19B8] =	vst v0  }
0x11d: {  	[tilespmem:$0x19A8] =	vst v0  }
0x11e: {  	[tilespmem:$0x1998] =	vst v0  }
0x11f: {  	[tilespmem:$0x1988] =	vst v0  }
0x120: {  	[tilespmem:$0x1978] =	vst v0  }
0x121: {  	[tilespmem:$0x1968] =	vst v0  }
0x122: {  	[tilespmem:$0x1958] =	vst v0  }
0x123: {  	[tilespmem:$0x1948] =	vst v0  }
0x124: {  	[tilespmem:$0x1938] =	vst v0  }
0x125: {  	[tilespmem:$0x1928] =	vst v0  }
0x126: {  	[tilespmem:$0x1918] =	vst v0  }
0x127: {  	[tilespmem:$0x1908] =	vst v0  }
0x128: {  	[tilespmem:$0x18F8] =	vst v0  }
0x129: {  	[tilespmem:$0x18E8] =	vst v0  }
0x12a: {  	[tilespmem:$0x18D8] =	vst v0  }
0x12b: {  	[tilespmem:$0x18C8] =	vst v0  }
0x12c: {  	[tilespmem:$0x18B8] =	vst v0  }
0x12d: {  	[tilespmem:$0x18A8] =	vst v0  }
0x12e: {  	[tilespmem:$0x1898] =	vst v0  }
0x12f: {  	[tilespmem:$0x1888] =	vst v0  }
0x130: {  	[tilespmem:$0x1878] =	vst v0  }
0x131: {  	[tilespmem:$0x1868] =	vst v0  }
0x132: {  	[tilespmem:$0x1858] =	vst v0  }
0x133: {  	[tilespmem:$0x1848] =	vst v0  }
0x134: {  	[tilespmem:$0x1838] =	vst v0  }
0x135: {  	[tilespmem:$0x1828] =	vst v0  }
0x136: {  	[tilespmem:$0x1818] =	vst v0  }
0x137: {  	[tilespmem:$0x1808] =	vst v0  }
0x138: {  	[tilespmem:$0x17F8] =	vst v0  }
0x139: {  	[tilespmem:$0x17E8] =	vst v0  }
0x13a: {  	[tilespmem:$0x17D8] =	vst v0  }
0x13b: {  	[tilespmem:$0x17C8] =	vst v0  }
0x13c: {  	[tilespmem:$0x17B8] =	vst v0  }
0x13d: {  	[tilespmem:$0x17A8] =	vst v0  }
0x13e: {  	[tilespmem:$0x1798] =	vst v0  }
0x13f: {  	[tilespmem:$0x1788] =	vst v0  }
0x140: {  	[tilespmem:$0x1778] =	vst v0  }
0x141: {  	[tilespmem:$0x1768] =	vst v0  }
0x142: {  	[tilespmem:$0x1758] =	vst v0  }
0x143: {  	[tilespmem:$0x1748] =	vst v0  }
0x144: {  	[tilespmem:$0x1738] =	vst v0  }
0x145: {  	[tilespmem:$0x1728] =	vst v0  }
0x146: {  	[tilespmem:$0x1718] =	vst v0  }
0x147: {  	[tilespmem:$0x1708] =	vst v0  }
0x148: {  	[tilespmem:$0x16F8] =	vst v0  }
0x149: {  	[tilespmem:$0x16E8] =	vst v0  }
0x14a: {  	[tilespmem:$0x16D8] =	vst v0  }
0x14b: {  	[tilespmem:$0x16C8] =	vst v0  }
0x14c: {  	[tilespmem:$0x16B8] =	vst v0  }
0x14d: {  	[tilespmem:$0x16A8] =	vst v0  }
0x14e: {  	[tilespmem:$0x1698] =	vst v0  }
0x14f: {  	[tilespmem:$0x1688] =	vst v0  }
0x150: {  	[tilespmem:$0x1678] =	vst v0  }
0x151: {  	[tilespmem:$0x1668] =	vst v0  }
0x152: {  	[tilespmem:$0x1658] =	vst v0  }
0x153: {  	[tilespmem:$0x1648] =	vst v0  }
0x154: {  	[tilespmem:$0x1638] =	vst v0  }
0x155: {  	[tilespmem:$0x1628] =	vst v0  }
0x156: {  	[tilespmem:$0x1618] =	vst v0  }
0x157: {  	[tilespmem:$0x1608] =	vst v0  }
0x158: {  	[tilespmem:$0x15F8] =	vst v0  }
0x159: {  	[tilespmem:$0x15E8] =	vst v0  }
0x15a: {  	[tilespmem:$0x15D8] =	vst v0  }
0x15b: {  	[tilespmem:$0x15C8] =	vst v0  }
0x15c: {  	[tilespmem:$0x15B8] =	vst v0  }
0x15d: {  	[tilespmem:$0x15A8] =	vst v0  }
0x15e: {  	[tilespmem:$0x1598] =	vst v0  }
0x15f: {  	[tilespmem:$0x1588] =	vst v0  }
0x160: {  	[tilespmem:$0x1578] =	vst v0  }
0x161: {  	[tilespmem:$0x1568] =	vst v0  }
0x162: {  	[tilespmem:$0x1558] =	vst v0  }
0x163: {  	[tilespmem:$0x1548] =	vst v0  }
0x164: {  	[tilespmem:$0x1538] =	vst v0  }
0x165: {  	[tilespmem:$0x1528] =	vst v0  }
0x166: {  	[tilespmem:$0x1518] =	vst v0  }
0x167: {  	[tilespmem:$0x1508] =	vst v0  }
0x168: {  	[tilespmem:$0x14F8] =	vst v0  }
0x169: {  	[tilespmem:$0x14E8] =	vst v0  }
0x16a: {  	[tilespmem:$0x14D8] =	vst v0  }
0x16b: {  	[tilespmem:$0x14C8] =	vst v0  }
0x16c: {  	[tilespmem:$0x14B8] =	vst v0  }
0x16d: {  	[tilespmem:$0x14A8] =	vst v0  }
0x16e: {  	[tilespmem:$0x1498] =	vst v0  }
0x16f: {  	[tilespmem:$0x1488] =	vst v0  }
0x170: {  	[tilespmem:$0x1478] =	vst v0  }
0x171: {  	[tilespmem:$0x1468] =	vst v0  }
0x172: {  	[tilespmem:$0x1458] =	vst v0  }
0x173: {  	[tilespmem:$0x1448] =	vst v0  }
0x174: {  	[tilespmem:$0x1438] =	vst v0  }
0x175: {  	[tilespmem:$0x1428] =	vst v0  }
0x176: {  	[tilespmem:$0x1418] =	vst v0  }
0x177: {  	[tilespmem:$0x1408] =	vst v0  }
0x178: {  	[tilespmem:$0x13F8] =	vst v0  }
0x179: {  	[tilespmem:$0x13E8] =	vst v0  }
0x17a: {  	[tilespmem:$0x13D8] =	vst v0  }
0x17b: {  	[tilespmem:$0x13C8] =	vst v0  }
0x17c: {  	[tilespmem:$0x13B8] =	vst v0  }
0x17d: {  	[tilespmem:$0x13A8] =	vst v0  }
0x17e: {  	[tilespmem:$0x1398] =	vst v0  }
0x17f: {  	[tilespmem:$0x1388] =	vst v0  }
0x180: {  	[tilespmem:$0x1378] =	vst v0  }
0x181: {  	[tilespmem:$0x1368] =	vst v0  }
0x182: {  	[tilespmem:$0x1358] =	vst v0  }
0x183: {  	[tilespmem:$0x1348] =	vst v0  }
0x184: {  	[tilespmem:$0x1338] =	vst v0  }
0x185: {  	[tilespmem:$0x1328] =	vst v0  }
0x186: {  	[tilespmem:$0x1318] =	vst v0  }
0x187: {  	[tilespmem:$0x1308] =	vst v0  }
0x188: {  	[tilespmem:$0x12F8] =	vst v0  }
0x189: {  	[tilespmem:$0x12E8] =	vst v0  }
0x18a: {  	[tilespmem:$0x12D8] =	vst v0  }
0x18b: {  	[tilespmem:$0x12C8] =	vst v0  }
0x18c: {  	[tilespmem:$0x12B8] =	vst v0  }
0x18d: {  	[tilespmem:$0x12A8] =	vst v0  }
0x18e: {  	[tilespmem:$0x1298] =	vst v0  }
0x18f: {  	[tilespmem:$0x1288] =	vst v0  }
0x190: {  	[tilespmem:$0x1278] =	vst v0  }
0x191: {  	[tilespmem:$0x1268] =	vst v0  }
0x192: {  	[tilespmem:$0x1258] =	vst v0  }
0x193: {  	[tilespmem:$0x1248] =	vst v0  }
0x194: {  	[tilespmem:$0x1238] =	vst v0  }
0x195: {  	[tilespmem:$0x1228] =	vst v0  }
0x196: {  	[tilespmem:$0x1218] =	vst v0  }
0x197: {  	[tilespmem:$0x1208] =	vst v0  }
0x198: {  	[tilespmem:$0x11F8] =	vst v0  }
0x199: {  	[tilespmem:$0x11E8] =	vst v0  }
0x19a: {  	[tilespmem:$0x11D8] =	vst v0  }
0x19b: {  	[tilespmem:$0x11C8] =	vst v0  }
0x19c: {  	[tilespmem:$0x11B8] =	vst v0  }
0x19d: {  	[tilespmem:$0x11A8] =	vst v0  }
0x19e: {  	[tilespmem:$0x1198] =	vst v0  }
0x19f: {  	[tilespmem:$0x1188] =	vst v0  }
0x1a0: {  	[tilespmem:$0x1178] =	vst v0  }
0x1a1: {  	[tilespmem:$0x1168] =	vst v0  }
0x1a2: {  	[tilespmem:$0x1158] =	vst v0  }
0x1a3: {  	[tilespmem:$0x1148] =	vst v0  }
0x1a4: {  	[tilespmem:$0x1138] =	vst v0  }
0x1a5: {  	[tilespmem:$0x1128] =	vst v0  }
0x1a6: {  	[tilespmem:$0x1118] =	vst v0  }
0x1a7: {  	s8 =	stileid.u32;
	[tilespmem:$0x1108] =	vst v0  }
0x1a8: {  	s0 =	smul.u32 $0xE, s8;
	[tilespmem:$0x10F8] =	vst v0  }
0x1a9: {  	s1 =	smin.u32 s8, $0xE;
	[tilespmem:$0x10E8] =	vst v0  }
0x1aa: {  	[tilespmem:$0x10D8] =	vst v0;
	s0 =	sadd.s32 s1, s0  }
0x1ab: {  	p0 =	slt.u32 s8, $0xE;
	[tilespmem:$0x10A8] =	vst v0;
	s1 =	simm.s32 $0x1950;
	s6 =	smul.u32 $0x1B0, s0  }
0x1ac: {  	s1 =	simm.s32 @!p0 $0x17A0;
	[tilespmem:$0x10B8] =	vst v0  }
0x1ad: {  	[tilespmem:$0x1098] =	vst v0;
	s0 =	sadd.s32 s1, s6  }
0x1ae: {  	s2 =	simm.s32 $0x2;
	[tilespmem:$0x1028] =	vst v0;
	s7 =	smin.u32 s0, $0x19000  }
0x1af: {  	s5 =	simm.s32 $0x9;
	s28 =	simm.s32 $0xA;
	[tilespmem:$0x1088] =	vst v0;
	s0 =	ssub.s32 s7, s6  }
0x1b0: {  	s29 =	simm.s32 $0xB;
	s16 =	simm.s32 $0x0;
	[tilespmem:$0x1078] =	vst v0;
	p0 =	sgt.s32 s0, $0x0  }
0x1b1: {  	p4 =	por $0x0, $0x0;
	s17 =	simm.s32 $0xC;
	[tilespmem:$0x1068] =	vst v0;
	s0 =	simm.s32 @!p0 $0x0  }
0x1b2: {  	s21 =	simm.s32 $0x0;
	s18 =	simm.s32 $0x0;
	[tilespmem:$0x1058] =	vst v0;
	s25 =	smulhi.u32 $0x4BDA12F7, s0  }
0x1b3: {  	s20 =	simm.s32 $0x0;
	s3 =	sadd.s32 $0x6400, s13;
	s4 =	sand.u32 $0x1, s4;
	[tilespmem:$0x1048] =	vst v0  }
0x1b4: {  	s11 =	sadd.s32 $0x62D400, s13;
	s30 =	smul.u32 $0x3200, s4;
	[tilespmem:$0x1038] =	vst v0;
	s1 =	sshrl.u32 s25, $0x7  }
0x1b5: {  	s31 =	sshll.u32 s8, $0x5;
	[tilespmem:$0x1018] =	vst v0;
	[sflag:s2] =	ssyncpa.u1 $0x0;
	v0 =	vimm.s32 $0xFFFFFFFF;
	s26 =	smul.u32 $0x1B0, s1  }
.Ltmp0:
0x1b6: {  	[dreg:$0x6] =	wrdreg s4;
	[tilespmem:$0x3648] =	vst v0;
	[sflag:s5] =	ssyncpa.u1 $0x0;
	(pc) =	sbr.rel .LBB2_1-.Ltmp0, $4  }
0x1b7: {  	[dreg:$0x5] =	wrdreg s31;
	[sflag:s28] =	ssyncpa.u1 $0x0;
	p0 =	sne.s32 s0, s26  }
0x1b8: {  	s4 =	sadd.s32 s30, s13;
	s15 =	sadd.s32 s30, s14;
	s12 =	simm.s32 @!p0 $0x0  }
0x1b9: {  	[sflag:s29] =	ssyncpa.u1 $0x0;
	s19 =	smov.u32 s6;
	s12 =	sadd.s32 s12, s1  }
0x1ba: {  	v0 =	vlaneseq.u32;
	[dreg:$0x7] =	wrdreg s6;
	p0 =	por $0x1, $0x1;
	s8 =	sadd.s32 $0x1, s12  }
.LBB2_18:
0x1bb: {  	s0 =	simm.s32 $0x2  }
0x1bc: {  	_ =	swait.ge [sflag:s0], $0x0  }
0x1bd: {  	[sflag:s0] =	ssyncset.done $0x0;
	s0 =	simm.s32 $0x0  }
.LBB2_19:
0x1be: {  	_ =	swait.ge [sflag:s17], s0  }
0x1bf: {  	s31 =	ssub.s32 $0x0, s0;
	v1 =	vmov s23;
	vm0 =	veq.s32 v0, $0x0;
	[sflag:s17] =	ssyncset.done $0x0  }
0x1c0: {  	vm15 =	veq.s32 v0, $0x2;
	v1 =	vsel vm0, s28, v1;
	[sflag:s17] =	ssyncadd.s32 s31  }
0x1c1: {  	v1 =	vsel vm15, s21, v1;
	[sflag:s17] =	ssyncpa.u1 $0x1  }
0x1c2: {  	[tilespmem:$0x3648] =	vst v1  }
.LBB2_20:
0x1c3: {  	s0 =	sadd.s32 $0x1B0, s19  }
0x1c4: {  	s1 =	smov.u32 s6;
	p1 =	slt.s32 s0, s7  }
0x1c5: {  	s1 =	smov.u32 @p1 s0;
	p1 =	sne.s32 s20, s8  }
.Ltmp1:
0x1c6: {  	_ = 	snop;
	(pc) =	sbr.rel @!p1 .LBB2_21-.Ltmp1, $4  }
0x1c7: {  	_ = 	snop  }
0x1c8: {  	s21 =	smov.u32 s18  }
0x1c9: {  	s31 =	sadd.s32 $0x1, s20;
	s18 =	smov.u32 s19;
	p0 =	por !p0, !p0  }
0x1ca: {  	p4 =	por !p4, !p4;
	s20 =	smov.u32 s31;
	s19 =	smov.u32 s1  }
.LBB2_1:
0x1cb: {  	p2 =	sge.u32 s20, s12  }
0x1cc: {  	s0 =	smulhi.u32 @!p2 $0xAAAAAAAB, s20  }
0x1cd: {  	s1 =	smov.u32 s19;
	p3 =	sgt.s32 @!p2 s19, $0x18E50  }
0x1ce: {  	s2 =	sshra.s32 @!p2 s19, $0x1F;
	p3 =	por !p3, p2;
	s0 =	sshrl.u32 @!p2 s0, $0x1  }
0x1cf: {  	s2 =	sand.u32 @!p2 s2, s19;
	s1 =	simm.s32 @p3 $0x18E50;
	s0 =	smul.u32 @!p2 $0x3, s0  }
0x1d0: {  	s1 =	ssub.s32 @!p2 s1, s2  }
0x1d1: {  	s23 =	sadd.s32 $0xFFFFFFFF, s20;
	s1 =	sadd.s32 @!p2 $0xFFFE71B0, s1;
	s0 =	ssub.s32 @!p2 s20, s0  }
0x1d2: {  	s2 =	sshll.u32 @!p2 s1, $0x2;
	p3 =	sgt.s32 @!p2 s1, $0x1AF;
	s0 =	smul.u32 @!p2 $0x6C0, s0  }
0x1d3: {  	s5 =	sand.u32 @!p2 $0x7, s19;
	s1 =	ssub.s32 @!p2 $0x6C0, s2;
	p3 =	por !p3, p2  }
0x1d4: {  	s2 =	sshrl.u32 @!p2 s19, $0x3;
	s1 =	sshrl.u32 @!p2 s1, $0x2;
	s0 =	sshrl.u32 @!p2 s0, $0x2  }
0x1d5: {  	s2 =	sadd.s32 @!p2 s2, s4;
	s1 =	simm.s32 @!p3 $0x0;
	s0 =	sadd.s32 @!p2 $0x3888, s0  }
0x1d6: {  	[tilespmem:s0], [sflag:$0xA] =	stream.linear.gather @!p2 [hbm4b:s2+s5], s1, $0x38;
	[tilespmem:$0x1F0F8] =	vst v63  }
0x1d7: {  	p2 =	sge.u32 s23, s12  }
0x1d8: {  	p3 =	sgt.s32 @!p2 s18, $0x18E50  }
0x1d9: {  	s0 =	smov.u32 s18;
	s1 =	sshra.s32 @!p2 s18, $0x1F;
	p3 =	por !p3, p2  }
0x1da: {  	s1 =	sand.u32 @!p2 s1, s18;
	s0 =	simm.s32 @p3 $0x18E50  }
0x1db: {  	s0 =	ssub.s32 @!p2 s0, s1  }
0x1dc: {  	s0 =	sadd.s32 @!p2 $0xFFFE71B0, s0  }
0x1dd: {  	s1 =	sshll.u32 @!p2 s0, $0x2  }
0x1de: {  	p3 =	sgt.s32 @!p2 s0, $0x1AF;
	s0 =	ssub.s32 @!p2 $0x6C0, s1  }
0x1df: {  	s22 =	ssub.s32 @!p2 $0x19000, s18;
	p3 =	por !p3, p2;
	s0 =	sshrl.u32 @!p2 s0, $0x2  }
0x1e0: {  	s1 =	sand.u32 @!p2 $0x1, s23;
	s0 =	simm.s32 @!p3 $0x0;
	p3 =	slt.s32 @!p2 s22, $0x1  }
0x1e1: {  	s2 =	simm.s32 @!p2 $0xA;
	s1 =	smul.u32 @!p2 $0x6C0, s1;
	p3 =	por p2, p3  }
.Ltmp2:
0x1e2: {  	_ =	swait.ge @!p2 [sflag:s2], s0;
	(pc) =	sbr.rel @p3 .LBB2_7-.Ltmp2, $4  }
0x1e3: {  	s5 =	ssub.s32 @!p2 $0x0, s0;
	[sflag:s2] =	ssyncset.done @!p2 $0x0  }
0x1e4: {  	s1 =	sshrl.u32 @!p2 s1, $0x2;
	[sflag:s2] =	ssyncadd.s32 @!p2 s5;
	s2 =	sshrl.u32 @!p2 s18, $0x3  }
0x1e5: {  	s1 =	sadd.s32 @!p2 $0x3D98, s1;
	s5 =	sand.u32 @!p2 $0x7, s18;
	s2 =	sadd.s32 @!p2 s2, s15  }
0x1e6: {  	[tilespmem:s1], [sflag:$0xB] =	stream.linear.gather @!p2 [hbm4b:s2+s5], s0, $0x38;
	[tilespmem:$0x1F0F8] =	vst v63  }
0x1e7: {  	s0 =	smulhi.u32 $0xAAAAAAAB, s23;
	_ =	sdelay $0x1  }
0x1e8: {  	s0 =	sshrl.u32 s0, $0x1  }
0x1e9: {  	s0 =	smul.u32 $0x3, s0;
	_ =	sdelay $0x1  }
0x1ea: {  	s0 =	ssub.s32 s23, s0  }
0x1eb: {  	s1 =	simm.s32 $0x1;
	s0 =	smul.u32 $0x6C0, s0  }
.Ltmp3:
0x1ec: {  	s1 =	simm.s32 @!p0 $0x0;
	(pc) =	sbr.rel .LBB2_4-.Ltmp3, $4  }
0x1ed: {  	s1 =	smul.u32 $0x36000, s1  }
0x1ee: {  	p3 =	slt.s32 @!p2 s22, $0x1B0;
	s0 =	sshrl.u32 s0, $0x2  }
0x1ef: {  	p2 =	por !p3, p2;
	s1 =	sshrl.u32 s1, $0x2;
	s0 =	sadd.s32 $0x3888, s0  }
0x1f0: {  	s24 =	simm.s32 $0x0;
	s22 =	simm.s32 @p2 $0x1B0;
	s23 =	sadd.s32 $0x40F8, s1;
	v1 =	vmov s0  }
.LBB2_3:
0x1f1: {  	p2 =	sge.s32 s24, s22  }
.Ltmp4:
0x1f2: {  	_ = 	snop;
	(pc) =	sbr.rel @p2 .LBB2_7-.Ltmp4, $2  }
0x1f3: {  	_ =	sdelay $0x2  }
0x1f4: {  	s23 =	sadd.s32 $0x800, s23  }
.LBB2_4:
0x1f5: {  	p2 =	sle.s32 s22, s24  }
.Ltmp5:
0x1f6: {  	_ = 	snop;
	(pc) =	sbr.rel @p2 .LBB2_3-.Ltmp5, $2  }
0x1f7: {  	_ =	sdelay $0x2  }
0x1f8: {  	s0 =	smov.u32 s24;
	s24 =	sadd.s32 $0x10, s24  }
0x1f9: {  	s1 =	ssub.s32 s22, s0  }
0x1fa: {  	p2 =	slt.s32 s1, $0x10  }
0x1fb: {  	s1 =	simm.s32 @!p2 $0x10  }
0x1fc: {  	v2 =	vmov s1  }
0x1fd: {  	vm0 =	vgt.s32 v2, v0;
	_ =	sdelay $0x5  }
0x1fe: {  	v2 =	vld.idx.msk [tilespmem:v1+s0+$0x0 ss:$0x1], vm0;
	_ =	sdelay $0x2  }
0x1ff: {  	p2 =	slt.s32 s24, s22;
	s1 =	smov.u32 s22  }
0x200: {  	s2 =	smov.u32 s23;
	s25 =	simm.s32 $0x0;
	s1 =	smov.u32 @p2 s24  }
.LBB2_6:
0x201: {  	(v2sf) =	vpush v2, s25;
	_ =	sdelay $0xc  }
0x202: {  	s25 =	sadd.s32 $0x1, s25  }
0x203: {  	s31 =	sadd.s32 s25, s0  }
0x204: {  	p2 =	slt.s32 s31, s1;
	s5 =	spop (v2sf)  }
.Ltmp6:
0x205: {  	s5 =	sshll.u32 s5, $0x4;
	(pc) =	sbr.rel @p2 .LBB2_6-.Ltmp6, $4  }
0x206: {  	s5 =	sand.u32 $0x1FFFFFF0, s5  }
0x207: {  	s5 =	sadd.s32 s11, s5  }
0x208: {  	[tilespmem:s2], [sflag:$0x9] =	stream.linear.gather [hbm4b:s5+s16], $0x4, $0x38;
	[tilespmem:$0x1F0F8] =	vst v63  }
0x209: {  	s2 =	sadd.s32 $0x80, s2  }
.Ltmp7:
0x20a: {  	_ = 	snop;
	(pc) =	sbr.rel .LBB2_3-.Ltmp7, $1  }
0x20b: {  	_ =	sdelay $0x3  }
.LBB2_7:
0x20c: {  	p2 =	slt.u32 s20, $0x2  }
.Ltmp8:
0x20d: {  	_ = 	snop;
	(pc) =	sbr.rel @p2 .LBB2_20-.Ltmp8, $1  }
0x20e: {  	_ =	sdelay $0x3  }
0x20f: {  	p2 =	sgt.s32 s21, $0x18E50  }
0x210: {  	s0 =	smov.u32 s21;
	s1 =	sshra.s32 s21, $0x1F;
	s2 =	ssub.s32 $0x19000, s21  }
0x211: {  	s0 =	simm.s32 @!p2 $0x18E50;
	s1 =	sand.u32 s1, s21;
	p2 =	slt.s32 s2, $0x1B0  }
0x212: {  	s0 =	ssub.s32 s0, s1;
	s2 =	simm.s32 @!p2 $0x1B0  }
0x213: {  	s0 =	sadd.s32 $0xFFFE71B0, s0;
	s24 =	sshll.u32 s2, $0x2  }
0x214: {  	s28 =	simm.s32 $0x9;
	s25 =	sshll.u32 s0, $0x2;
	s1 =	sand.u32 $0x3FFFFFFC, s24  }
0x215: {  	p2 =	sgt.s32 s0, $0x1AF;
	s26 =	ssub.s32 $0x6C0, s25;
	_ =	swait.ge [sflag:s28], s1  }
0x216: {  	s1 =	ssub.s32 $0x0, s1;
	[sflag:s28] =	ssyncset.done $0x0;
	s0 =	sshrl.u32 s26, $0x2  }
0x217: {  	s30 =	simm.s32 $0xB;
	[sflag:s28] =	ssyncadd.s32 s1;
	s0 =	simm.s32 @p2 $0x0  }
0x218: {  	_ =	swait.ge [sflag:s30], s0  }
0x219: {  	s0 =	ssub.s32 $0x0, s0;
	[sflag:s30] =	ssyncset.done $0x0  }
0x21a: {  	[sflag:s30] =	ssyncadd.s32 s0  }
0x21b: {  	v1 =	vld [tilespmem:$0x3648];
	_ =	sdelay $0x4  }
0x21c: {  	(v2sf) =	vpush v1, $0x0  }
0x21d: {  	(v2sf) =	vpush v1, $0x1  }
0x21e: {  	(v2sf) =	vpush v1, $0x2;
	_ =	sdelay $0x3  }
0x21f: {  	s0 =	sadd.s32 $0x1B0, s21  }
0x220: {  	s1 =	ssub.s32 $0x32000, s21;
	p2 =	slt.s32 s7, s0  }
0x221: {  	s0 =	smov.u32 @p2 s7;
	p2 =	sgt.s32 s1, $0x0  }
0x222: {  	s25 =	ssub.s32 s0, s21;
	s1 =	simm.s32 @!p2 $0x0  }
0x223: {  	p2 =	slt.s32 s1, s25  }
0x224: {  	s25 =	smov.u32 @p2 s1  }
0x225: {  	s24 =	simm.s32 $0x1;
	p2 =	slt.s32 s25, $0x1  }
.Ltmp9:
0x226: {  	s24 =	simm.s32 @!p4 $0x0;
	(pc) =	sbr.rel @p2 .LBB2_12-.Ltmp9, $4  }
0x227: {  	s31 =	smul.u32 $0x6C0, s24  }
0x228: {  	s26 =	spop (v2sf)  }
0x229: {  	s0 =	sshrl.u32 s31, $0x2;
	s29 =	spop (v2sf)  }
0x22a: {  	s22 =	sadd.s32 $0x3D98, s0;
	s21 =	spop (v2sf)  }
0x22b: {  	s0 =	smin.u32 s25, $0x10  }
0x22c: {  	v1 =	vmov s0  }
0x22d: {  	p3 =	sgt.s32 s25, $0x10;
	vm1 =	vgt.u32 v1, v0  }
.Ltmp10:
0x22e: {  	_ = 	snop;
	(pc) =	sbr.rel @!p3 .LBB2_11-.Ltmp10, $2  }
0x22f: {  	_ =	sdelay $0x2  }
0x230: {  	s23 =	simm.s32 $0x10;
	s28 =	sadd.s32 $0xFFFFFFF0, s25;
	s0 =	smov.u32 s22;
	vm0 =	vmmov vm1  }
.LBB2_10:
0x231: {  	s1 =	smin.u32 s28, $0x10;
	s23 =	sadd.s32 $0x10, s23;
	v1 =	vld.msk [tilespmem:s0+$0x0 ss:$0x1], vm1  }
0x232: {  	v2 =	vmov s1;
	p3 =	slt.s32 s23, s25  }
0x233: {  	vm1 =	vgt.u32 v2, v0  }
.Ltmp11:
0x234: {  	(pc) =	sbr.rel @p3 .LBB2_10-.Ltmp11, $3  }
0x235: {  	_ =	sdelay $0x1  }
0x236: {  	v1 =	vshll.u32 v1, $0x4  }
0x237: {  	s28 =	sadd.s32 $0xFFFFFFF0, s28;
	[tilespmem:s0+$0x0] =	vst.msk vm0, v1;
	s0 =	sadd.s32 $0x10, s0;
	vm0 =	vmmov vm1  }
.LBB2_11:
0x238: {  	_ =	sdelay $0x4  }
0x239: {  	v1 =	vld.msk [tilespmem:s0+$0x0 ss:$0x1], vm1;
	_ =	sdelay $0x4  }
0x23a: {  	v1 =	vshll.u32 v1, $0x4  }
0x23b: {  	[tilespmem:s0+$0x0] =	vst.msk vm0, v1  }
.LBB2_12:
0x23c: {  	s0 =	sand.u32 $0x1, s20  }
0x23d: {  	s0 =	smul.u32 $0x1B0, s0  }
0x23e: {  	p3 =	sne.s32 s29, $0xFFFFFFFF  }
0x23f: {  	v1 =	vld.msk @!p3 [tilespmem:s0+$0x3D98], $0x1;
	_ =	sdelay $0x4  }
0x240: {  	(v2sf) =	vpush @!p3 v1, $0x0;
	_ =	sdelay $0xc  }
.Ltmp12:
0x241: {  	_ = 	snop;
	(pc) =	sbr.rel @p2 .LBB2_18-.Ltmp12, $4  }
0x242: {  	_ = 	snop  }
0x243: {  	s28 =	spop @!p3 (v2sf)  }
0x244: {  	s21 =	simm.s32 @!p3 $0x0;
	s23 =	smov.u32 s28  }
0x245: {  	[sflag:s17] =	ssyncpa.u1 $0x0;
	s28 =	smov.u32 @p3 s26;
	s23 =	smov.u32 @p3 s29  }
0x246: {  	v1 =	vld.msk [tilespmem:s22+$0x0], $0x1;
	_ =	sdelay $0x4  }
0x247: {  	(v2sf) =	vpush v1, $0x0;
	_ =	sdelay $0xe  }
0x248: {  	s0 =	simm.s32 @!p4 $0x0;
	s26 =	smul.u32 $0x36000, s24;
	s31 =	spop (v2sf)  }
0x249: {  	s29 =	ssub.s32 $0x0, s25;
	s0 =	simm.s32 @p4 $0x1;
	p2 =	seq.s32 s28, s31  }
0x24a: {  	s1 =	smov.u32 s28;
	[smem:$0x7FD] =	sst s0;
	p3 =	sgt.s32 @!p2 s28, $0x0  }
0x24b: {  	s0 =	sshrl.u32 s26, $0x2;
	s26 =	sadd.s32 $0x1, s29;
	p3 =	por !p3, p2  }
0x24c: {  	s1 =	simm.s32 @p3 $0x0;
	p3 =	seq.s32 s26, $0x0  }
.Ltmp13:
0x24d: {  	_ = 	snop;
	(pc) =	sbr.rel @p3 .LBB2_15-.Ltmp13, $4  }
0x24e: {  	s6 =	smov.u32 s8;
	s14 =	smov.u32 s4;
	s25 =	simm.s32 $0x0  }
0x24f: {  	s24 =	sadd.s32 $0x40F8, s0;
	s0 =	simm.s32 @!p2 $0x1;
	s2 =	smin.u32 @!p2 s1, $0xD6FFF  }
0x250: {  	s30 =	sadd.s32 $0x1, s22;
	s0 =	smov.u32 @p2 s25;
	s5 =	sand.u32 @!p2 $0xFFFF8, s2  }
0x251: {  	s1 =	simm.s32 @!p2 $0x1B38;
	s2 =	sand.u32 @!p2 $0x7, s2;
	s5 =	sadd.s32 @!p2 s3, s5  }
.LBB2_14:
0x252: {  	s4 =	smov.u32 s0  }
0x253: {  	[tilespmem:s1], [sflag:$0x2] =	stream.linear.gather @!p2 [hbm4b:s5+s2], $0x4, $0x38;
	[tilespmem:$0x1F0F8] =	vst v63  }
0x254: {  	s26 =	sadd.s32 $0x1, s26;
	s2 =	smov.u32 s31;
	v1 =	vld.msk [tilespmem:s30+$0x0], $0x1  }
0x255: {  	p3 =	seq.s32 s26, $0x0;
	_ =	sdelay $0x3  }
0x256: {  	(v2sf) =	vpush v1, $0x0;
	_ =	sdelay $0xe  }
0x257: {  	s31 =	spop (v2sf)  }
0x258: {  	p2 =	seq.s32 s2, s31  }
0x259: {  	p4 =	sgt.s32 @!p2 s2, $0x0;
	s1 =	sshll.u32 @!p2 s0, $0x6;
	s0 =	sadd.s32 @!p2 $0x1, s0  }
.Ltmp14:
0x25a: {  	p4 =	por !p4, p2;
	s1 =	sshra.s32 @!p2 s1, $0x2;
	(pc) =	sbr.rel @!p3 .LBB2_14-.Ltmp14, $4  }
0x25b: {  	s0 =	smov.u32 @p2 s4;
	s2 =	simm.s32 @p4 $0x0;
	s1 =	sadd.s32 @!p2 $0x1B38, s1  }
0x25c: {  	s2 =	smin.u32 @!p2 s2, $0xD6FFF  }
0x25d: {  	s4 =	sand.u32 @!p2 $0xFFFF8, s2;
	s2 =	sand.u32 @!p2 $0x7, s2  }
0x25e: {  	s30 =	sadd.s32 $0x1, s30;
	s5 =	sadd.s32 @!p2 s3, s4  }
.LBB2_15:
0x25f: {  	[tilespmem:s1], [sflag:$0x2] =	stream.linear.gather @!p2 [hbm4b:s5+s2], $0x4, $0x38;
	[tilespmem:$0x1F0F8] =	vst v63  }
0x260: {  	s0 =	sshll.u32 s0, $0x2  }
0x261: {  	s31 =	simm.s32 $0x2;
	s0 =	sand.u32 $0x3FFFFFFC, s0  }
0x262: {  	_ =	swait.ge [sflag:s31], s0  }
0x263: {  	s0 =	ssub.s32 $0x0, s0;
	[sflag:s31] =	ssyncset.done $0x0  }
0x264: {  	[sflag:s31] =	ssyncadd.s32 s0  }
0x265: {  	v1 =	vld.msk [tilespmem:s22+$0x0], $0x1;
	_ =	sdelay $0x4  }
0x266: {  	(v2sf) =	vpush v1, $0x0;
	_ =	sdelay $0xe  }
0x267: {  	s26 =	spop (v2sf)  }
0x268: {  	p2 =	sne.s32 s28, s26  }
0x269: {  	p4 =	sne.s32 @p2 s28, s23  }
0x26a: {  	p3 =	por !p4, !p2  }
0x26b: {  	s0 =	simm.s32 @!p3 $0x0  }
0x26c: {  	v1 =	vld.msk @!p3 [tilespmem:s0+$0x1B38], $0xf  }
0x26d: {  	p5 =	sgt.u32 @!p3 s28, $0xD6FFF  }
0x26e: {  	s1 =	sshll.u32 @!p3 s21, $0x6;
	p6 =	por @p2 p5, !p4  }
0x26f: {  	s1 =	sshra.s32 @!p3 s1, $0x2;
	p1 =	por p6, !p2;
	p6 =	por p4, !p2  }
0x270: {  	s2 =	sadd.s32 @!p3 $0x28, s1;
	s4 =	sand.u32 @!p1 $0xFFFF8, s28;
	s5 =	sshll.u32 @!p6 s21, $0x6  }
0x271: {  	s28 =	sand.u32 @!p1 $0x7, s28;
	[tilespmem:s1+$0x28] =	vst.add.f32.msk @!p3 $0xf, v1;
	s1 =	sadd.s32 @!p1 s3, s4;
	s4 =	sshra.s32 @!p6 s5, $0x2  }
0x272: {  	[hbm4b:s1+s28] =	stream.linear.scatter @!p1 [tilespmem:s2], [sflag:$0xC], $0x4, $0x38;
	[tilespmem:$0x1F0F8] =	vst v63  }
0x273: {  	s0 =	rddreg [dreg:$0x5];
	s1 =	sadd.s32 @!p6 $0x28, s4;
	s2 =	simm.s32 @!p6 $0x1  }
0x274: {  	[spmem:s0] =	stream.linear.scatter @!p6 [tilespmem:s1], [sflag:$0x1], $0x4, $0x38;
	[tilespmem:$0x1F0F8] =	vst v63  }
0x275: {  	s0 =	sadd.s32 @p2 $0x1, s21;
	_ =	swait.ge @!p6 [sflag:s2], $0x4  }
0x276: {  	s1 =	sshrl.u32 @p2 s0, $0x4;
	[sflag:s2] =	ssyncset.done @!p6 $0x0  }
0x277: {  	s1 =	smulhi.u32 @p2 $0x97B425F, s1;
	[sflag:s2] =	ssyncadd.s32 @!p6 $0xFFFFFFFC  }
0x278: {  	s28 =	sadd.s32 $0x1, s29;
	v1 =	vld.msk @p2 [tilespmem:s24+$0x0], $0xf  }
0x279: {  	p1 =	por @p2 !p5, !p4;
	p4 =	seq.s32 s28, $0x0;
	s1 =	smul.u32 @p2 $0x1B0, s1  }
.Ltmp15:
0x27a: {  	p1 =	por !p1, !p2;
	s2 =	simm.s32 @!p3 $0x0;
	(pc) =	sbr.rel @p4 .LBB2_17-.Ltmp15, $4  }
0x27b: {  	s4 =	sshll.u32 @!p2 s21, $0x6;
	s2 =	simm.s32 @!p1 $0x10;
	s0 =	ssub.s32 @p2 s0, s1  }
0x27c: {  	s29 =	simm.s32 $0x0;
	s2 =	sadd.s32 @!p3 $0x0, s2;
	s5 =	sshll.u32 @p2 s0, $0x4  }
0x27d: {  	s30 =	sshra.s32 @!p2 s4, $0x2;
	s1 =	simm.s32 @p2 $0x1;
	s2 =	smov.u32 @p3 s25;
	[tilespmem:s5+$0x28] =	vst.msk @p2 $0xf, v1  }
0x27e: {  	s21 =	smov.u32 @p2 s0;
	s29 =	smov.u32 @p2 s2;
	s25 =	smov.u32 @p2 s1;
	v1 =	vld.msk @!p2 [tilespmem:s24+$0x0], $0xf  }
.LBB2_16:
0x27f: {  	_ =	sdelay $0x3  }
0x280: {  	s22 =	sadd.s32 $0x1, s22;
	[tilespmem:s30+$0x28] =	vst.add.f32.msk @!p2 $0xf, v1  }
0x281: {  	v1 =	vld.msk [tilespmem:s22+$0x0], $0x1;
	_ =	sdelay $0x4  }
0x282: {  	(v2sf) =	vpush v1, $0x0;
	_ =	sdelay $0xe  }
0x283: {  	s0 =	smov.u32 s26;
	s26 =	spop (v2sf)  }
0x284: {  	p2 =	sne.s32 s0, s26  }
0x285: {  	p5 =	sne.s32 @p2 s0, s23  }
0x286: {  	s4 =	sshll.u32 @!p2 s21, $0x6;
	p4 =	por !p5, !p2  }
0x287: {  	s30 =	sshra.s32 @!p2 s4, $0x2;
	s4 =	sshll.u32 @!p4 s25, $0x6  }
0x288: {  	s4 =	sshra.s32 @!p4 s4, $0x2  }
0x289: {  	p1 =	sgt.u32 @!p4 s0, $0xD6FFF;
	v1 =	vld.msk @!p4 [tilespmem:s4+$0x1B38], $0xf  }
0x28a: {  	s31 =	sshll.u32 @!p4 s21, $0x6;
	p6 =	por @p2 p1, !p5;
	p1 =	por @p2 !p1, !p5  }
0x28b: {  	s8 =	simm.s32 @!p4 $0x0;
	s31 =	sshra.s32 @!p4 s31, $0x2;
	p1 =	por !p1, !p2  }
0x28c: {  	p5 =	por p5, !p2;
	s8 =	simm.s32 @!p1 $0x10;
	p1 =	por p6, !p2  }
0x28d: {  	s4 =	sadd.s32 @!p4 $0x28, s31;
	s13 =	sshll.u32 @!p5 s21, $0x6;
	s10 =	sand.u32 @!p1 $0xFFFF8, s0  }
0x28e: {  	s13 =	sshra.s32 @!p5 s13, $0x2;
	s0 =	sand.u32 @!p1 $0x7, s0;
	s10 =	sadd.s32 @!p1 s3, s10;
	[tilespmem:s31+$0x28] =	vst.add.f32.msk @!p4 $0xf, v1  }
0x28f: {  	[hbm4b:s10+s0] =	stream.linear.scatter @!p1 [tilespmem:s4], [sflag:$0xC], $0x4, $0x38;
	[tilespmem:$0x1F0F8] =	vst v63  }
0x290: {  	s1 =	rddreg [dreg:$0x5];
	s0 =	sadd.s32 @!p5 $0x28, s13;
	s4 =	simm.s32 @!p5 $0x1  }
0x291: {  	[spmem:s1] =	stream.linear.scatter @!p5 [tilespmem:s0], [sflag:$0x1], $0x4, $0x38;
	[tilespmem:$0x1F0F8] =	vst v63  }
0x292: {  	s2 =	sadd.s32 @p2 $0x1, s21;
	_ =	swait.ge @!p5 [sflag:s4], $0x4  }
0x293: {  	s5 =	sshrl.u32 @p2 s2, $0x4;
	[sflag:s4] =	ssyncset.done @!p5 $0x0  }
0x294: {  	s24 =	sadd.s32 $0x80, s24;
	s5 =	smulhi.u32 @p2 $0x97B425F, s5;
	[sflag:s4] =	ssyncadd.s32 @!p5 $0xFFFFFFFC  }
0x295: {  	s28 =	sadd.s32 $0x1, s28;
	v1 =	vld.msk @p2 [tilespmem:s24+$0x0], $0xf  }
0x296: {  	p3 =	seq.s32 s28, $0x0;
	s5 =	smul.u32 @p2 $0x1B0, s5  }
.Ltmp16:
0x297: {  	_ = 	snop;
	(pc) =	sbr.rel @!p3 .LBB2_16-.Ltmp16, $4  }
0x298: {  	s2 =	ssub.s32 @p2 s2, s5  }
0x299: {  	s8 =	sadd.s32 @!p4 s8, s29;
	s5 =	sshll.u32 @p2 s2, $0x4  }
0x29a: {  	s9 =	sadd.s32 @p2 $0x1, s25;
	s8 =	smov.u32 @p4 s29;
	[tilespmem:s5+$0x28] =	vst.msk @p2 $0xf, v1  }
0x29b: {  	s25 =	smov.u32 @p2 s9;
	s21 =	smov.u32 @p2 s2;
	s29 =	smov.u32 @p2 s8;
	v1 =	vld.msk @!p2 [tilespmem:s24+$0x0], $0xf  }
.LBB2_17:
.Ltmp17:
0x29c: {  	_ = 	snop;
	(pc) =	sbr.rel .LBB2_19-.Ltmp17, $3  }
0x29d: {  	s1 =	sld [smem:$0x7FD];
	_ =	sdelay $0x1  }
0x29e: {  	s0 =	sshrl.u32 s29, $0x2;
	s28 =	smov.u32 s26;
	s4 =	smov.u32 s14  }
0x29f: {  	s8 =	smov.u32 s6;
	s6 =	rddreg [dreg:$0x7];
	p4 =	seq.s32 s1, $0x1;
	[tilespmem:s30+$0x28] =	vst.add.f32.msk @!p2 $0xf, v1  }
.LBB2_21:
0x2a0: {  	_ =	sfence.sel $0x180000  }
0x2a1: {  	s0 =	simm.s32 $0x9;
	[bflag:$0x0] =	sbarrier.arrive $0xFFFF  }
0x2a2: {  	s24 =	simm.s32 $0xA;
	[sflag:s0] =	ssyncpa.u1 $0x1  }
0x2a3: {  	s25 =	simm.s32 $0xB;
	[sflag:s24] =	ssyncpa.u1 $0x1  }
0x2a4: {  	s26 =	simm.s32 $0x2;
	[sflag:s25] =	ssyncpa.u1 $0x1  }
0x2a5: {  	[sflag:s26] =	ssyncpa.u1 $0x1  }
0x2a6: {  	v0 =	vld [tilespmem:$0x3648];
	_ =	sdelay $0x4  }
0x2a7: {  	(v2sf) =	vpush v0, $0x0  }
0x2a8: {  	(v2sf) =	vpush v0, $0x1;
	_ =	sdelay $0x1  }
0x2a9: {  	(v2sf) =	vpush v0, $0x2;
	_ =	sdelay $0xb  }
0x2aa: {  	s0 =	spop (v2sf)  }
0x2ab: {  	s1 =	spop (v2sf)  }
0x2ac: {  	s2 =	smov.u32 s0;
	p0 =	sne.s32 s0, s1  }
0x2ad: {  	s4 =	spop (v2sf);
	s2 =	simm.s32 @!p0 $0xFFFFFFFF  }
0x2ae: {  	v2 =	vimm.s32 $0x1;
	v3 =	vlaneseq.u32;
	p0 =	seq.s32 s4, $0xFFFFFFFF;
	v1 =	vmov s2  }
0x2af: {  	s16 =	stileid.u32;
	v0 =	vperm.xlane v0, v2;
	p1 =	sne.s32 @!p0 s0, s1;
	v1 =	vperm.xlane v1, v3  }
0x2b0: {  	vm0 =	vcmask $0x3F04;
	s6 =	simm.s32 $0x3648;
	s0 =	simm.s32 @!p0 $0x1;
	p1 =	por !p1, p0  }
0x2b1: {  	s2 =	sshll.u32 s16, $0x1;
	s1 =	sshll.u32 @!p0 s4, $0x6;
	s0 =	simm.s32 @p1 $0x0;
	v0 =	vsel vm0, v1, v0  }
0x2b2: {  	s5 =	sor.u32 $0x200, s2;
	s1 =	sshra.s32 @!p0 s1, $0x2;
	s0 =	sor.u32 @!p0 s0, s2;
	[tilespmem:$0x3648] =	vst v0  }
0x2b3: {  	[spmem:s5] =	stream.linear.scatter [tilespmem:s6], [sflag:$0x1], $0x2, $0x38;
	[tilespmem:$0x1F0F8] =	vst v63  }
0x2b4: {  	s1 =	sadd.s32 @!p0 $0x28, s1;
	s0 =	sshll.u32 @!p0 s0, $0x4  }
0x2b5: {  	[spmem:s0] =	stream.linear.scatter @!p0 [tilespmem:s1], [sflag:$0x1], $0x10, $0x38;
	[tilespmem:$0x1F0F8] =	vst v63  }
0x2b6: {  	s0 =	simm.s32 @!p0 $0x12  }
0x2b7: {  	s28 =	simm.s32 $0x1;
	s0 =	simm.s32 @p0 $0x2  }
0x2b8: {  	_ =	swait.ge [sflag:s28], s0  }
0x2b9: {  	s0 =	ssub.s32 $0x0, s0;
	[sflag:s28] =	ssyncset.done $0x0  }
0x2ba: {  	p0 =	sne.s32 s16, $0x0;
	[sflag:s28] =	ssyncadd.s32 s0  }
.Ltmp18:
0x2bb: {  	_ =	sfence.stream.spmem;
	(pc) =	sbr.rel @p0 .LBB2_38-.Ltmp18, $4  }
0x2bc: {  	s29 =	simm.s32 $0x3;
	[bflag:$0x0] =	sbarrier.arrive $0xFFFF  }
0x2bd: {  	s30 =	simm.s32 $0x4;
	[sflag:s29] =	ssyncpa.u1 $0x1  }
0x2be: {  	s31 =	simm.s32 $0x3C;
	[sflag:s30] =	ssyncpa.u1 $0x1  }
0x2bf: {  	s17 =	rddreg [dreg:$0x6];
	[sflag:s31] =	ssyncpa.u1 $0x1  }
0x2c0: {  	_ =	sfence.stream.spmem;
	s0 =	simm.s32 $0x5  }
0x2c1: {  	s1 =	simm.s32 $0x200;
	s2 =	simm.s32 $0x3658;
	[sflag:s0] =	ssyncpa.u1 $0x0  }
0x2c2: {  	[tilespmem:s2], [sflag:$0x5] =	stream.linear.gather [spmem:s1], $0x20, $0x38;
	[tilespmem:$0x1F0F8] =	vst v63  }
0x2c3: {  	s26 =	simm.s32 $0x0;
	s28 =	simm.s32 $0x3678  }
0x2c4: {  	[tilespmem:s28], [sflag:$0x5] =	stream.linear.gather [spmem:s26], $0x200, $0x38;
	[tilespmem:$0x1F0F8] =	vst v63  }
0x2c5: {  	_ =	swait.ge [sflag:s0], $0x220  }
0x2c6: {  	[sflag:s0] =	ssyncset.done $0x0  }
0x2c7: {  	s29 =	simm.s32 $0x0;
	[sflag:s0] =	ssyncadd.s32 $0xFFFFFDE0  }
0x2c8: {  	v0 =	vld.msk [tilespmem:s29+$0x3658], $0x1;
	_ =	sdelay $0x1  }
0x2c9: {  	s30 =	simm.s32 $0x1  }
0x2ca: {  	v1 =	vld.msk [tilespmem:s30+$0x3658], $0x1;
	_ =	sdelay $0x1  }
0x2cb: {  	(v2sf) =	vpush v0, $0x0;
	_ =	sdelay $0x2  }
0x2cc: {  	(v2sf) =	vpush v1, $0x0;
	_ =	sdelay $0x2  }
0x2cd: {  	s31 =	simm.s32 $0x2  }
0x2ce: {  	v0 =	vld.msk [tilespmem:s31+$0x3658], $0x1;
	_ =	sdelay $0x2  }
0x2cf: {  	s6 =	simm.s32 $0xFFFFFFFF;
	s1 =	simm.s32 $0xFFFFFFFF;
	s0 =	simm.s32 $0xC  }
.LBB2_23:
0x2d0: {  	s2 =	smov.u32 s6;
	s4 =	smov.u32 s1  }
0x2d1: {  	s1 =	sshra.s32 s0, $0x2;
	p1 =	sne.s32 s0, $0x7C;
	s0 =	sadd.s32 $0x4, s0;
	(v2sf) =	vpush v0, $0x0  }
0x2d2: {  	v0 =	vld.msk [tilespmem:s1+$0x3658], $0x1  }
.Ltmp19:
0x2d3: {  	(pc) =	sbr.rel @p1 .LBB2_23-.Ltmp19, $4  }
0x2d4: {  	s6 =	spop (v2sf)  }
0x2d5: {  	p2 =	sne.s32 s4, $0xFFFFFFFF;
	s1 =	smov.u32 s6  }
0x2d6: {  	p3 =	seq.s32 s6, $0xFFFFFFFF;
	s1 =	smov.u32 @p2 s4  }
0x2d7: {  	s6 =	smov.u32 @p3 s2;
	s1 =	smov.u32 @p3 s4  }
0x2d8: {  	(v2sf) =	vpush v0, $0x0;
	_ =	sdelay $0x8  }
0x2d9: {  	s0 =	spop (v2sf)  }
0x2da: {  	p1 =	sne.s32 s1, $0xFFFFFFFF;
	s2 =	smov.u32 s0  }
0x2db: {  	s9 =	simm.s32 $0x6;
	p2 =	seq.s32 s0, $0xFFFFFFFF;
	s2 =	smov.u32 @p1 s1  }
0x2dc: {  	s10 =	simm.s32 $0x3638;
	s2 =	smov.u32 @p2 s1;
	s1 =	spop (v2sf)  }
0x2dd: {  	s0 =	smov.u32 @p2 s6;
	p1 =	sne.s32 s2, $0xFFFFFFFF;
	s4 =	smov.u32 s1  }
.Ltmp20:
0x2de: {  	p2 =	seq.s32 s1, $0xFFFFFFFF;
	s4 =	smov.u32 @p1 s2;
	(pc) =	sbr.rel .LBB2_25-.Ltmp20, $4  }
0x2df: {  	s11 =	simm.s32 $0x0;
	s4 =	smov.u32 @p2 s2;
	s7 =	spop (v2sf)  }
0x2e0: {  	[sflag:s9] =	ssyncpa.u1 $0x0;
	p1 =	sne.s32 s4, $0xFFFFFFFF;
	s8 =	smov.u32 s7  }
0x2e1: {  	s1 =	smov.u32 @p2 s0;
	p2 =	seq.s32 s7, $0xFFFFFFFF;
	s8 =	smov.u32 @p1 s4  }
0x2e2: {  	s6 =	simm.s32 $0x0;
	s7 =	smov.u32 @p2 s1;
	s8 =	smov.u32 @p2 s4  }
.LBB2_30:
0x2e3: {  	p1 =	sgt.u32 s12, $0xD6FFF  }
0x2e4: {  	p2 =	seq.s32 @!p1 s12, s8  }
0x2e5: {  	p1 =	por p1, p2  }
0x2e6: {  	p2 =	sne.s32 @!p1 s12, s7  }
0x2e7: {  	p1 =	por p1, !p2  }
0x2e8: {  	s0 =	sshll.u32 @p1 s11, $0x6  }
0x2e9: {  	s0 =	sand.u32 @!p1 $0xFFFF8, s12  }
0x2ea: {  	s1 =	sand.u32 @!p1 $0x7, s12;
	s0 =	sadd.s32 @!p1 s3, s0  }
0x2eb: {  	[tilespmem:s10], [sflag:$0x6] =	stream.linear.gather @!p1 [hbm4b:s0+s1], $0x4, $0x38;
	[tilespmem:$0x1F0F8] =	vst v63  }
0x2ec: {  	_ =	swait.ge @!p1 [sflag:s9], $0x4  }
0x2ed: {  	[sflag:s9] =	ssyncset.done @!p1 $0x0  }
0x2ee: {  	[sflag:s9] =	ssyncadd.s32 @!p1 $0xFFFFFFFC  }
0x2ef: {  	v1 =	vld @!p1 [tilespmem:$0x3638];
	_ =	sdelay $0x2  }
0x2f0: {  	s0 =	sshll.u32 @!p1 s11, $0x6  }
0x2f1: {  	s1 =	sshrl.u32 @!p1 s0, $0x2  }
0x2f2: {  	[tilespmem:s1+$0x3678] =	vst.add.f32.msk @!p1 $0xffff, v1  }
0x2f3: {  	s0 =	sshrl.u32 s0, $0x2;
	[tilespmem:s6+$0x3658] =	vst.msk $0x1, v0  }
0x2f4: {  	v0 =	vld [tilespmem:s0+$0x3678];
	_ =	sdelay $0x2  }
0x2f5: {  	s31 =	sshll.u32 s6, $0x6  }
0x2f6: {  	s0 =	sshra.s32 s31, $0x2  }
0x2f7: {  	s6 =	sadd.s32 $0x1, s6;
	[tilespmem:s0+$0x3678] =	vst v0  }
.LBB2_32:
0x2f8: {  	s11 =	sadd.s32 $0x1, s11  }
0x2f9: {  	p1 =	sne.s32 s11, $0x20  }
.Ltmp21:
0x2fa: {  	_ = 	snop;
	(pc) =	sbr.rel @!p1 .LBB2_33-.Ltmp21, $1  }
0x2fb: {  	_ =	sdelay $0x3  }
.LBB2_25:
0x2fc: {  	v0 =	vld.msk [tilespmem:s11+$0x3658], $0x1;
	_ =	sdelay $0x4  }
0x2fd: {  	(v2sf) =	vpush v0, $0x0;
	_ =	sdelay $0xe  }
0x2fe: {  	s12 =	spop (v2sf)  }
0x2ff: {  	p1 =	seq.s32 s12, $0xFFFFFFFF  }
.Ltmp22:
0x300: {  	_ = 	snop;
	(pc) =	sbr.rel @p1 .LBB2_32-.Ltmp22, $1  }
0x301: {  	_ =	sdelay $0x3  }
0x302: {  	p1 =	slt.s32 s6, $0x1  }
.Ltmp23:
0x303: {  	_ = 	snop;
	(pc) =	sbr.rel @p1 .LBB2_30-.Ltmp23, $1  }
0x304: {  	_ =	sdelay $0x3  }
0x305: {  	s13 =	simm.s32 $0x3658;
	p1 =	por $0x0, $0x0  }
0x306: {  	v1 =	vld.msk @!p1 [tilespmem:s13+$0x0], $0x1;
	_ =	sdelay $0x4  }
0x307: {  	(v2sf) =	vpush @!p1 v1, $0x0;
	_ =	sdelay $0xd  }
0x308: {  	p3 =	sne.s32 s6, $0x1  }
.Ltmp24:
0x309: {  	s0 =	spop @!p1 (v2sf);
	(pc) =	sbr.rel @!p3 .LBB2_29-.Ltmp24, $4  }
0x30a: {  	p2 =	seq.s32 @!p1 s12, s0  }
0x30b: {  	s14 =	simm.s32 $0x0;
	p2 =	por !p2, p1  }
0x30c: {  	s0 =	simm.s32 $0xFFFFFFFF;
	s14 =	simm.s32 @p2 $0xFFFFFFFF  }
0x30d: {  	s15 =	simm.s32 $0x1;
	s14 =	smov.u32 @p1 s0  }
.LBB2_28:
0x30e: {  	s0 =	smov.u32 s14;
	p1 =	sne.s32 s14, $0xFFFFFFFF  }
0x30f: {  	s13 =	sadd.s32 $0x1, s13;
	s14 =	smov.u32 s15;
	s15 =	sadd.s32 $0x1, s15  }
0x310: {  	p2 =	sne.s32 s6, s15;
	v1 =	vld.msk @!p1 [tilespmem:s13+$0x0], $0x1;
	_ =	sdelay $0x4  }
0x311: {  	(v2sf) =	vpush @!p1 v1, $0x0;
	_ =	sdelay $0xe  }
.Ltmp25:
0x312: {  	s1 =	spop @!p1 (v2sf);
	(pc) =	sbr.rel @p2 .LBB2_28-.Ltmp25, $4  }
0x313: {  	p3 =	seq.s32 @!p1 s12, s1  }
0x314: {  	p3 =	por !p3, p1  }
0x315: {  	s14 =	simm.s32 @p3 $0xFFFFFFFF  }
0x316: {  	s14 =	smov.u32 @p1 s0  }
.LBB2_29:
0x317: {  	p1 =	sne.s32 s14, $0xFFFFFFFF  }
.Ltmp26:
0x318: {  	_ = 	snop;
	(pc) =	sbr.rel @!p1 .LBB2_30-.Ltmp26, $1  }
0x319: {  	_ =	sdelay $0x3  }
0x31a: {  	s0 =	sshll.u32 s11, $0x4  }
0x31b: {  	s0 =	sand.u32 $0x3FFFFFF0, s0  }
0x31c: {  	v0 =	vld [tilespmem:s0+$0x3678]  }
.Ltmp27:
0x31d: {  	_ = 	snop;
	(pc) =	sbr.rel .LBB2_32-.Ltmp27, $4  }
0x31e: {  	_ = 	snop  }
0x31f: {  	s31 =	sshll.u32 s14, $0x6  }
0x320: {  	s0 =	sshra.s32 s31, $0x2  }
0x321: {  	[tilespmem:s0+$0x3678] =	vst.add.f32.msk $0xffff, v0  }
.LBB2_33:
0x322: {  	s0 =	simm.s32 $0x6;
	p1 =	seq.s32 s6, $0x0  }
0x323: {  	[sflag:s0] =	ssyncpa.u1 $0x1;
	v0 =	vimm.s32 @p1 $0xFFFFFFFF  }
0x324: {  	s9 =	sadd.s32 $0xFFFFFFFF, s6;
	[tilespmem:$0x3878] =	vst @p1 v0  }
0x325: {  	v0 =	vld.msk @!p1 [tilespmem:s9+$0x3658], $0x1;
	_ =	sdelay $0x1  }
0x326: {  	v1 =	vld.msk @!p1 [tilespmem:$0x3658], $0x1;
	_ =	sdelay $0x2  }
0x327: {  	p2 =	seq.s32 @!p1 s9, $0x0;
	v0 =	vbroadcast @!p1 v0, $0x0  }
0x328: {  	vm0 =	vmmov @!p1 $0x1;
	p2 =	por !p2, p1  }
0x329: {  	v1 =	vnsel @!p1 vm0, $0xFFFFFFFF, v1;
	vm0 =	vcmask @!p1 $0x308;
	v0 =	vpsel !p2, $0xFFFFFFFF, v0  }
0x32a: {  	p2 =	sne.s32 @!p1 s8, s7;
	v0 =	vsel @!p1 vm0, v1, v0  }
0x32b: {  	s0 =	simm.s32 @!p1 $0x3678;
	s1 =	simm.s32 @!p1 $0x0;
	p3 =	por !p2, p1;
	[tilespmem:$0x3878] =	vst @!p1 v0  }
0x32c: {  	[spmem:s1] =	stream.linear.scatter @!p1 [tilespmem:s0], [sflag:$0x1], $0x10, $0x38;
	[tilespmem:$0x1F0F8] =	vst v63  }
0x32d: {  	s0 =	sshll.u32 @!p3 s9, $0x6  }
0x32e: {  	s0 =	sshra.s32 @!p3 s0, $0x2  }
0x32f: {  	s1 =	simm.s32 @!p3 $0x10;
	s0 =	sadd.s32 @!p3 $0x3678, s0  }
0x330: {  	[spmem:s1] =	stream.linear.scatter @!p3 [tilespmem:s0], [sflag:$0x1], $0x10, $0x38;
	[tilespmem:$0x1F0F8] =	vst v63  }
0x331: {  	s0 =	simm.s32 @!p3 $0x1  }
0x332: {  	_ =	swait.ge @!p3 [sflag:s0], $0x20  }
0x333: {  	p1 =	por p2, p1;
	[sflag:s0] =	ssyncset.done @!p3 $0x0  }
0x334: {  	[sflag:s0] =	ssyncadd.s32 @!p3 $0xFFFFFFE0;
	s0 =	simm.s32 @!p1 $0x1  }
0x335: {  	_ =	swait.ge @!p1 [sflag:s0], $0x10  }
0x336: {  	s29 =	simm.s32 $0x3878;
	[sflag:s0] =	ssyncset.done @!p1 $0x0  }
0x337: {  	s30 =	simm.s32 $0x200;
	s31 =	simm.s32 $0x1;
	[sflag:s0] =	ssyncadd.s32 @!p1 $0xFFFFFFF0  }
0x338: {  	[spmem:s30] =	stream.linear.scatter [tilespmem:s29], [sflag:$0x1], $0x10, $0x38;
	[tilespmem:$0x1F0F8] =	vst v63  }
0x339: {  	_ =	swait.ge [sflag:s31], $0x10  }
0x33a: {  	[sflag:s31] =	ssyncset.done $0x0  }
0x33b: {  	p1 =	seq.s32 s17, $0x0;
	s8 =	rddreg [dreg:$0x2];
	[sflag:s31] =	ssyncadd.s32 $0xFFFFFFF0  }
0x33c: {  	s1 =	sshll.u32 @p1 s8, $0xE;
	s7 =	rddreg [dreg:$0x3]  }
0x33d: {  	s0 =	sadd.s32 @p1 $0x15C3C, s1;
	s1 =	sshll.u32 @p1 s7, $0x11  }
0x33e: {  	_ =	sfence.stream.spmem;
	s0 =	sor.u32 @p1 s1, s0  }
0x33f: {  	[sflag:s0] =	ssyncadd.remote.s32 @p1 $0x1;
	s0 =	simm.s32 @p1 $0x4  }
0x340: {  	s2 =	simm.s32 @!p1 $0x3C;
	s1 =	sand.u32 $0xFFFFFFFE, s8;
	_ =	swait.ge @p1 [sflag:s0], $0x6  }
0x341: {  	s4 =	simm.s32 @!p1 $0x0;
	s1 =	sadd.s32 @!p1 $0x4, s1;
	[sflag:s0] =	ssyncset.done @p1 $0x0  }
0x342: {  	s5 =	simm.s32 @!p1 $0x20;
	[sflag:s0] =	ssyncadd.s32 @p1 $0xFFFFFFFA;
	s0 =	sshll.u32 @!p1 s1, $0x1A  }
0x343: {  	s1 =	sshll.u32 @!p1 s1, $0xD;
	s0 =	sor.u32 @!p1 s0, s7;
	_ =	swait.eq @!p1 [sflag:s2], $0x1  }
0x344: {  	s1 =	sor.u32 @!p1 $0x1C04, s1;
	s2 =	simm.s32 @!p1 $0x1C03;
	s0 =	sor.u32 @!p1 $0x80004000, s0  }
0x345: {  	[spmem:s5], [sflag:s1] =	dma.general @!p1 [spmem:s4], [sflag:s2], length:$0x4, [dreg:$0x0], stride_count:$0x0, ici_dest:s0, dma_misc:DstOpCode:WRITE  }
0x346: {  	p2 =	slt.s32 s9, $0x2;
	s4 =	simm.s32 @!p1 $0x40;
	s5 =	simm.s32 @!p1 $0x42  }
0x347: {  	[spmem:s5], [sflag:s1] =	dma.general @!p1 [spmem:s4], [sflag:s2], length:$0x2, [dreg:$0x0], stride_count:$0x0, ici_dest:s0, dma_misc:DstOpCode:WRITE  }
.Ltmp28:
0x348: {  	s0 =	simm.s32 @!p1 $0x3;
	(pc) =	sbr.rel @p2 .LBB2_37-.Ltmp28, $4  }
0x349: {  	s1 =	sshll.u32 @!p1 s8, $0xE;
	_ =	swait.ge @!p1 [sflag:s0], $0x6  }
0x34a: {  	s2 =	sshll.u32 @!p1 s7, $0x11;
	s1 =	sadd.s32 @!p1 $0x11C3C, s1;
	[sflag:s0] =	ssyncset.done @!p1 $0x0  }
0x34b: {  	[sflag:s0] =	ssyncadd.s32 @!p1 $0xFFFFFFFA;
	s0 =	sor.u32 @!p1 s2, s1  }
0x34c: {  	[sflag:s0] =	ssyncadd.remote.s32 @!p1 $0xFFFFFFFF;
	s0 =	simm.s32 $0x0  }
0x34d: {  	s0 =	simm.s32 $0x3659  }
0x34e: {  	v0 =	vld.msk [tilespmem:s0+$0x0], $0x1;
	_ =	sdelay $0x4  }
0x34f: {  	(v2sf) =	vpush v0, $0x0;
	_ =	sdelay $0xd  }
0x350: {  	s2 =	sadd.s32 $0xFFFFFFFE, s6  }
0x351: {  	s2 =	sadd.s32 $0xFFFFFFFF, s2;
	s0 =	spop (v2sf)  }
0x352: {  	p2 =	sne.s32 s2, $0x0;
	p1 =	sgt.u32 s0, $0xD6FFF  }
.Ltmp29:
0x353: {  	s4 =	sand.u32 @!p1 $0xFFFF8, s0;
	(pc) =	sbr.rel @!p2 .LBB2_36-.Ltmp29, $4  }
0x354: {  	s1 =	simm.s32 $0x3688;
	s0 =	sand.u32 @!p1 $0x7, s0;
	s4 =	sadd.s32 @!p1 s3, s4  }
0x355: {  	[hbm4b:s4+s0] =	stream.linear.scatter @!p1 [tilespmem:s1], [sflag:$0x5], $0x4, $0x38;
	[tilespmem:$0x1F0F8] =	vst v63  }
0x356: {  	s0 =	simm.s32 $0x0  }
0x357: {  	s6 =	simm.s32 $0x0;
	s7 =	simm.s32 $0x365A;
	s0 =	simm.s32 @!p1 $0x10  }
.LBB2_35:
0x358: {  	v0 =	vld.msk [tilespmem:s7+$0x0], $0x1;
	s2 =	sadd.s32 $0xFFFFFFFF, s2;
	s6 =	sadd.s32 s6, s0  }
0x359: {  	p1 =	sne.s32 s2, $0x0;
	_ =	sdelay $0x3  }
0x35a: {  	(v2sf) =	vpush v0, $0x0;
	_ =	sdelay $0xe  }
.Ltmp30:
0x35b: {  	s4 =	spop (v2sf);
	(pc) =	sbr.rel @p1 .LBB2_35-.Ltmp30, $4  }
0x35c: {  	s0 =	simm.s32 $0x0;
	p2 =	sgt.u32 s4, $0xD6FFF  }
0x35d: {  	s1 =	sadd.s32 $0x10, s1;
	s0 =	simm.s32 @!p2 $0x10;
	s5 =	sand.u32 @!p2 $0xFFFF8, s4  }
0x35e: {  	s7 =	sadd.s32 $0x1, s7;
	s4 =	sand.u32 @!p2 $0x7, s4;
	s5 =	sadd.s32 @!p2 s3, s5  }
0x35f: {  	[hbm4b:s5+s4] =	stream.linear.scatter @!p2 [tilespmem:s1], [sflag:$0x5], $0x4, $0x38;
	[tilespmem:$0x1F0F8] =	vst v63  }
.LBB2_36:
0x360: {  	s0 =	sadd.s32 s6, s0  }
0x361: {  	s0 =	sshrl.u32 s0, $0x2  }
.LBB2_37:
0x362: {  	s1 =	simm.s32 $0x5  }
0x363: {  	_ =	swait.ge [sflag:s1], s0  }
0x364: {  	s31 =	ssub.s32 $0x0, s0;
	[sflag:s1] =	ssyncset.done $0x0  }
0x365: {  	[sflag:s1] =	ssyncadd.s32 s31  }
0x366: {  	[sflag:s1] =	ssyncpa.u1 $0x1  }
.LBB2_38:
0x367: {  	s0 =	sor.u32 s17, s16  }
0x368: {  	p1 =	sne.s32 s0, $0x0  }
.Ltmp31:
0x369: {  	_ = 	snop;
	(pc) =	sbr.rel @p1 .LBB2_53-.Ltmp31, $3  }
0x36a: {  	_ =	sdelay $0x1  }
0x36b: {  	[bflag:$0x0] =	sbarrier.arrive $0xFFFF  }
0x36c: {  	_ =	sfence  }
0x36d: {  	s0 =	simm.s32 $0x7  }
0x36e: {  	s1 =	simm.s32 $0x200;
	s2 =	simm.s32 $0x3658;
	[sflag:s0] =	ssyncpa.u1 $0x0  }
0x36f: {  	[tilespmem:s2], [sflag:$0x7] =	stream.linear.gather [spmem:s1], $0x20, $0x38;
	[tilespmem:$0x1F0F8] =	vst v63  }
0x370: {  	s30 =	simm.s32 $0x3678;
	s1 =	simm.s32 $0x0  }
0x371: {  	[tilespmem:s30], [sflag:$0x7] =	stream.linear.gather [spmem:s1], $0x200, $0x38;
	[tilespmem:$0x1F0F8] =	vst v63  }
.Ltmp32:
0x372: {  	_ = 	snop;
	(pc) =	sbr.rel .LBB2_40-.Ltmp32, $4  }
0x373: {  	_ =	swait.ge [sflag:s0], $0x220  }
0x374: {  	[sflag:s0] =	ssyncset.done $0x0  }
0x375: {  	s31 =	simm.s32 $0x8;
	[sflag:s0] =	ssyncadd.s32 $0xFFFFFDE0  }
0x376: {  	s2 =	simm.s32 $0x0;
	[sflag:s31] =	ssyncpa.u1 $0x0  }
.LBB2_45:
0x377: {  	p1 =	slt.u32 s4, $0xD7000  }
0x378: {  	s0 =	sand.u32 @p1 $0xFFFF8, s4  }
0x379: {  	s4 =	sand.u32 @p1 $0x7, s4;
	s5 =	simm.s32 @p1 $0x3638;
	s0 =	sadd.s32 @p1 s3, s0  }
0x37a: {  	[tilespmem:s5], [sflag:$0x8] =	stream.linear.gather @p1 [hbm4b:s0+s4], $0x4, $0x38;
	[tilespmem:$0x1F0F8] =	vst v63  }
0x37b: {  	s0 =	simm.s32 @p1 $0x8  }
0x37c: {  	_ =	swait.ge @p1 [sflag:s0], $0x4  }
0x37d: {  	[sflag:s0] =	ssyncset.done @p1 $0x0  }
0x37e: {  	[sflag:s0] =	ssyncadd.s32 @p1 $0xFFFFFFFC  }
0x37f: {  	v1 =	vld @p1 [tilespmem:$0x3638];
	_ =	sdelay $0x2  }
0x380: {  	s0 =	sshll.u32 @p1 s2, $0x6  }
0x381: {  	s5 =	sshll.u32 @!p1 s2, $0x6;
	s4 =	sshrl.u32 @p1 s0, $0x2  }
0x382: {  	s5 =	smov.u32 @p1 s0;
	[tilespmem:s4+$0x3678] =	vst.add.f32.msk @p1 $0xffff, v1  }
0x383: {  	s0 =	sshrl.u32 s5, $0x2;
	[tilespmem:s1+$0x3658] =	vst.msk $0x1, v0  }
0x384: {  	v0 =	vld [tilespmem:s0+$0x3678];
	_ =	sdelay $0x2  }
0x385: {  	s31 =	sshll.u32 s1, $0x6  }
0x386: {  	s0 =	sshra.s32 s31, $0x2  }
0x387: {  	s1 =	sadd.s32 $0x1, s1;
	[tilespmem:s0+$0x3678] =	vst v0  }
.LBB2_47:
0x388: {  	s2 =	sadd.s32 $0x1, s2  }
0x389: {  	p1 =	sne.s32 s2, $0x20  }
.Ltmp33:
0x38a: {  	_ = 	snop;
	(pc) =	sbr.rel @!p1 .LBB2_48-.Ltmp33, $1  }
0x38b: {  	_ =	sdelay $0x3  }
.LBB2_40:
0x38c: {  	v0 =	vld.msk [tilespmem:s2+$0x3658], $0x1;
	_ =	sdelay $0x4  }
0x38d: {  	(v2sf) =	vpush v0, $0x0;
	_ =	sdelay $0xe  }
0x38e: {  	s4 =	spop (v2sf)  }
0x38f: {  	p1 =	seq.s32 s4, $0xFFFFFFFF  }
.Ltmp34:
0x390: {  	_ = 	snop;
	(pc) =	sbr.rel @p1 .LBB2_47-.Ltmp34, $1  }
0x391: {  	_ =	sdelay $0x3  }
0x392: {  	p1 =	slt.s32 s1, $0x1  }
.Ltmp35:
0x393: {  	_ = 	snop;
	(pc) =	sbr.rel @p1 .LBB2_45-.Ltmp35, $1  }
0x394: {  	_ =	sdelay $0x3  }
0x395: {  	s5 =	simm.s32 $0x3658;
	p1 =	por $0x0, $0x0  }
0x396: {  	v1 =	vld.msk @!p1 [tilespmem:s5+$0x0], $0x1;
	_ =	sdelay $0x4  }
0x397: {  	(v2sf) =	vpush @!p1 v1, $0x0;
	_ =	sdelay $0xd  }
0x398: {  	p3 =	sne.s32 s1, $0x1  }
.Ltmp36:
0x399: {  	s0 =	spop @!p1 (v2sf);
	(pc) =	sbr.rel @!p3 .LBB2_44-.Ltmp36, $4  }
0x39a: {  	p2 =	seq.s32 @!p1 s4, s0  }
0x39b: {  	s6 =	simm.s32 $0x0;
	p2 =	por !p2, p1  }
0x39c: {  	s0 =	simm.s32 $0xFFFFFFFF;
	s6 =	simm.s32 @p2 $0xFFFFFFFF  }
0x39d: {  	s7 =	simm.s32 $0x1;
	s6 =	smov.u32 @p1 s0  }
.LBB2_43:
0x39e: {  	s0 =	smov.u32 s6;
	p1 =	sne.s32 s6, $0xFFFFFFFF  }
0x39f: {  	s5 =	sadd.s32 $0x1, s5;
	s6 =	smov.u32 s7;
	s7 =	sadd.s32 $0x1, s7  }
0x3a0: {  	p2 =	sne.s32 s1, s7;
	v1 =	vld.msk @!p1 [tilespmem:s5+$0x0], $0x1;
	_ =	sdelay $0x4  }
0x3a1: {  	(v2sf) =	vpush @!p1 v1, $0x0;
	_ =	sdelay $0xe  }
.Ltmp37:
0x3a2: {  	s8 =	spop @!p1 (v2sf);
	(pc) =	sbr.rel @p2 .LBB2_43-.Ltmp37, $4  }
0x3a3: {  	p3 =	seq.s32 @!p1 s4, s8  }
0x3a4: {  	p3 =	por !p3, p1  }
0x3a5: {  	s6 =	simm.s32 @p3 $0xFFFFFFFF  }
0x3a6: {  	s6 =	smov.u32 @p1 s0  }
.LBB2_44:
0x3a7: {  	p1 =	sne.s32 s6, $0xFFFFFFFF  }
.Ltmp38:
0x3a8: {  	_ = 	snop;
	(pc) =	sbr.rel @!p1 .LBB2_45-.Ltmp38, $1  }
0x3a9: {  	_ =	sdelay $0x3  }
0x3aa: {  	s0 =	sshll.u32 s2, $0x4  }
0x3ab: {  	s0 =	sand.u32 $0x3FFFFFF0, s0  }
0x3ac: {  	v0 =	vld [tilespmem:s0+$0x3678]  }
.Ltmp39:
0x3ad: {  	_ = 	snop;
	(pc) =	sbr.rel .LBB2_47-.Ltmp39, $4  }
0x3ae: {  	_ = 	snop  }
0x3af: {  	s31 =	sshll.u32 s6, $0x6  }
0x3b0: {  	s0 =	sshra.s32 s31, $0x2  }
0x3b1: {  	[tilespmem:s0+$0x3678] =	vst.add.f32.msk $0xffff, v0  }
.LBB2_48:
0x3b2: {  	p1 =	slt.s32 s1, $0x1  }
.Ltmp40:
0x3b3: {  	_ = 	snop;
	(pc) =	sbr.rel @p1 .LBB2_52-.Ltmp40, $3  }
0x3b4: {  	_ =	sdelay $0x1  }
0x3b5: {  	s0 =	simm.s32 $0x8  }
0x3b6: {  	s2 =	simm.s32 $0x0;
	[sflag:s0] =	ssyncpa.u1 $0x1  }
0x3b7: {  	s0 =	simm.s32 $0x3658  }
0x3b8: {  	v0 =	vld.msk [tilespmem:s0+$0x0], $0x1;
	_ =	sdelay $0x4  }
0x3b9: {  	(v2sf) =	vpush v0, $0x0;
	_ =	sdelay $0xe  }
0x3ba: {  	s1 =	sadd.s32 $0xFFFFFFFF, s1;
	s0 =	spop (v2sf)  }
0x3bb: {  	p2 =	sne.s32 s1, $0x0;
	p1 =	sgt.u32 s0, $0xD6FFF  }
.Ltmp41:
0x3bc: {  	s5 =	sand.u32 @!p1 $0xFFFF8, s0;
	(pc) =	sbr.rel @!p2 .LBB2_51-.Ltmp41, $4  }
0x3bd: {  	s4 =	simm.s32 $0x3678;
	s0 =	sand.u32 @!p1 $0x7, s0;
	s5 =	sadd.s32 @!p1 s3, s5  }
0x3be: {  	[hbm4b:s5+s0] =	stream.linear.scatter @!p1 [tilespmem:s4], [sflag:$0x7], $0x4, $0x38;
	[tilespmem:$0x1F0F8] =	vst v63  }
0x3bf: {  	s0 =	simm.s32 $0x0  }
0x3c0: {  	s5 =	simm.s32 $0x3659;
	s0 =	simm.s32 @!p1 $0x10  }
.LBB2_50:
0x3c1: {  	v0 =	vld.msk [tilespmem:s5+$0x0], $0x1;
	s1 =	sadd.s32 $0xFFFFFFFF, s1;
	s2 =	sadd.s32 s2, s0  }
0x3c2: {  	p1 =	sne.s32 s1, $0x0;
	_ =	sdelay $0x3  }
0x3c3: {  	(v2sf) =	vpush v0, $0x0;
	_ =	sdelay $0xe  }
.Ltmp42:
0x3c4: {  	s6 =	spop (v2sf);
	(pc) =	sbr.rel @p1 .LBB2_50-.Ltmp42, $4  }
0x3c5: {  	s0 =	simm.s32 $0x0;
	p2 =	sgt.u32 s6, $0xD6FFF  }
0x3c6: {  	s4 =	sadd.s32 $0x10, s4;
	s0 =	simm.s32 @!p2 $0x10;
	s7 =	sand.u32 @!p2 $0xFFFF8, s6  }
0x3c7: {  	s5 =	sadd.s32 $0x1, s5;
	s6 =	sand.u32 @!p2 $0x7, s6;
	s7 =	sadd.s32 @!p2 s3, s7  }
0x3c8: {  	[hbm4b:s7+s6] =	stream.linear.scatter @!p2 [tilespmem:s4], [sflag:$0x7], $0x4, $0x38;
	[tilespmem:$0x1F0F8] =	vst v63  }
.LBB2_51:
0x3c9: {  	s0 =	sadd.s32 s2, s0  }
0x3ca: {  	s2 =	sshrl.u32 s0, $0x2  }
.LBB2_52:
0x3cb: {  	s0 =	simm.s32 $0x7  }
0x3cc: {  	_ =	swait.ge [sflag:s0], s2  }
0x3cd: {  	s1 =	ssub.s32 $0x0, s2;
	[sflag:s0] =	ssyncset.done $0x0  }
0x3ce: {  	[sflag:s0] =	ssyncadd.s32 s1  }
0x3cf: {  	[sflag:s0] =	ssyncpa.u1 $0x1  }
.LBB2_53:
0x3d0: {  	_ =	sfence;
	s0 =	simm.s32 $0x1  }
0x3d1: {  	[sflag:s0] =	ssyncpa.u1 $0x1  }
0x3d2: {  	_ =	strace $0x90000047  }
0x3d3: {  	[bflag:$0x2] =	sbarrier.arrive $0xFFFF  }
0x3d4: {  	s0 =	rddreg [dreg:$0x4]  }
0x3d5: {  	s0 =	sadd.s32 @!p0 $0x100000, s0  }
0x3d6: {  	[sflag:s0] =	ssyncadd.tile.s32 @!p0 $0x1;
	_ =	shalt  }
.Lfunc_end2:
_tile_overlayer_lowered:
.L_overlay_start_2:
0x3d7: {  	(tag) =	ssettag $0x2  }
0x3d8: {  	s0 =	rddreg [dreg:$0x0];
	s2 =	stileid.u32  }
0x3d9: {  	s1 =	rddreg [dreg:$0x1];
	p0 =	sne.s32 s2, $0x0  }
0x3da: {  	s3 =	rddreg [dreg:$0x2];
	[bflag:$0x3] =	sbarrier.arrive $0xFFFF;
	s2 =	simm.s32 @!p0 $0x1C01  }
0x3db: {  	[timem:s3], [sflag:s2] =	dma.local @!p0 [hbm:s0], s1  }
0x3dc: {  	s0 =	simm.s32 @!p0 $0x1  }
0x3dd: {  	_ =	swait.ge @!p0 [sflag:s0], s1  }
0x3de: {  	s1 =	ssub.s32 @!p0 $0x0, s1;
	[sflag:s0] =	ssyncset.done @!p0 $0x0  }
0x3df: {  	[sflag:s0] =	ssyncadd.s32 @!p0 s1  }
0x3e0: {  	[bflag:$0x3] =	sbarrier.arrive $0xFFFF  }
0x3e1: {  	_ =	shalt  }

</sc_bundles>
